<compile_context>
chip_gen: v7x
topology: tpu7x:2x2x1
jax: 0.10.2.dev20260603
libtpu: 0.0.44.dev20260713+nightly
codegen_flags: <defaults>
</compile_context>

<pallas_src>
import jax
import jax.numpy as jnp
from jax import lax
from jax.experimental import pallas as pl
from jax.experimental.pallas import tpu as pltpu
from jax.experimental.pallas import tpu_sc as plsc

NC = 2
NS = 16
NW = NC * NS
LANES = 16
CHUNK = 80
ZR = 80


def _zero_vmem_2d(ref, nrow, wv):
    zf = jnp.zeros((LANES,), jnp.float32)

    def zbody(i, _):
        ref[i // wv, pl.ds((i % wv) * LANES, LANES)] = zf
        return 0

    lax.fori_loop(0, nrow * wv, zbody, 0)


def _fill_vmem_1d(ref, nelem, value):
    v = jnp.full((LANES,), value, jnp.float32)

    def fbody(i, _):
        ref[pl.ds(i * LANES, LANES)] = v
        return 0

    lax.fori_loop(0, nelem // LANES, fbody, 0)


def _sc_layer0(x2, ei4, npad, width):
    nchunk1 = ei4.shape[2]
    nchunk = 2 * nchunk1
    rz = npad // NS

    def body(ei_hbm, x2_hbm, out_hbm, deg_hbm, src_all, dst_all, rows0, rows1,
             zrow, ones, zdeg, acc, deg_sh, gs0, gs1):
        c = lax.axis_index("c")
        s = lax.axis_index("s")
        r0 = s * rz

        pltpu.sync_copy(ei_hbm.at[0, 2 * s, :, :],
                        src_all.at[pl.ds(0, nchunk1), :])
        pltpu.sync_copy(ei_hbm.at[0, 2 * s + 1, :, :],
                        src_all.at[pl.ds(nchunk1, nchunk1), :])
        pltpu.sync_copy(ei_hbm.at[1, 2 * s, :, :],
                        dst_all.at[pl.ds(0, nchunk1), :])
        pltpu.sync_copy(ei_hbm.at[1, 2 * s + 1, :, :],
                        dst_all.at[pl.ds(nchunk1, nchunk1), :])

        cw = jnp.full((LANES,), 0, jnp.int32) + c

        def tbody(i, _):
            j = i // (CHUNK // LANES)
            k = i % (CHUNK // LANES)
            v = src_all[j, pl.ds(k * LANES, LANES)]
            src_all[j, pl.ds(k * LANES, LANES)] = v * 2 + cw
            return 0

        lax.fori_loop(0, nchunk * (CHUNK // LANES), tbody, 0)

        _zero_vmem_2d(zrow, ZR, width // LANES)
        _fill_vmem_1d(zdeg, rz, 0.0)
        _fill_vmem_1d(ones, CHUNK, 1.0)

        def zacc_body(i, _):
            pltpu.sync_copy(zrow, acc.at[pl.ds(r0 + i * ZR, ZR), :])
            return 0

        lax.fori_loop(0, rz // ZR, zacc_body, 0)
        pltpu.sync_copy(zdeg, deg_sh.at[pl.ds(r0, rz)])
        plsc.subcore_barrier()

        def g_start(j, buf, sem):
            pltpu.async_copy(x2_hbm.at[src_all.at[j]], buf, sem)

        def g_wait(buf, sem):
            pltpu.make_async_copy(x2_hbm.at[src_all.at[0]], buf, sem).wait()

        def do_scatter(j, buf):
            drow = dst_all.at[j]
            pltpu.sync_copy(buf, acc.at[drow], add=True)
            pltpu.sync_copy(ones, deg_sh.at[drow], add=True)

        g_start(0, rows0, gs0)
        g_start(1, rows1, gs1)

        def pair_body(i, _):
            j0 = 2 * i
            g_wait(rows0, gs0)
            do_scatter(j0, rows0)

            @pl.when(j0 + 2 < nchunk)
            def _():
                g_start(j0 + 2, rows0, gs0)

            g_wait(rows1, gs1)
            do_scatter(j0 + 1, rows1)

            @pl.when(j0 + 3 < nchunk)
            def _():
                g_start(j0 + 3, rows1, gs1)

            return 0

        lax.fori_loop(0, nchunk // 2, pair_body, 0)
        if nchunk % 2:
            g_wait(rows0, gs0)
            do_scatter(nchunk - 1, rows0)
        plsc.subcore_barrier()

        pltpu.sync_copy(acc.at[pl.ds(r0, rz), :],
                        out_hbm.at[c, pl.ds(r0, rz), :])
        pltpu.sync_copy(deg_sh.at[pl.ds(r0, rz)],
                        deg_hbm.at[c, pl.ds(r0, rz)])

    mesh = plsc.VectorSubcoreMesh(core_axis_name="c", subcore_axis_name="s")
    kfn = pl.kernel(
        body,
        mesh=mesh,
        out_type=[
            jax.ShapeDtypeStruct((NC, npad, width), jnp.float32),
            jax.ShapeDtypeStruct((NC, npad), jnp.float32),
        ],
        scratch_types=[
            pltpu.VMEM((nchunk, CHUNK), jnp.int32),
            pltpu.VMEM((nchunk, CHUNK), jnp.int32),
            pltpu.VMEM((CHUNK, width), jnp.float32),
            pltpu.VMEM((CHUNK, width), jnp.float32),
            pltpu.VMEM((ZR, width), jnp.float32),
            pltpu.VMEM((CHUNK,), jnp.float32),
            pltpu.VMEM((rz,), jnp.float32),
            pltpu.VMEM_SHARED((npad, width), jnp.float32),
            pltpu.VMEM_SHARED((npad,), jnp.float32),
            pltpu.SemaphoreType.DMA,
            pltpu.SemaphoreType.DMA,
        ],
        compiler_params=pltpu.CompilerParams(use_tc_tiling_on_sc=False),
    )
    return kfn(ei4, x2)


def _sc_layer1(g, ei4, npad):
    n, width = g.shape
    nchunk = ei4.shape[2]
    rz = npad // NS

    def body(ei_hbm, g_hbm, out_hbm, src_all, dst_all, rows0, rows1, zrow,
             acc, gs0, gs1):
        c = lax.axis_index("c")
        s = lax.axis_index("s")
        wid = c * NS + s
        r0 = s * rz

        pltpu.sync_copy(ei_hbm.at[0, wid, :, :], src_all)
        pltpu.sync_copy(ei_hbm.at[1, wid, :, :], dst_all)

        _zero_vmem_2d(zrow, ZR, width // LANES)

        def zacc_body(i, _):
            pltpu.sync_copy(zrow, acc.at[pl.ds(r0 + i * ZR, ZR), :])
            return 0

        lax.fori_loop(0, rz // ZR, zacc_body, 0)
        plsc.subcore_barrier()

        def g_start(j, buf, sem):
            pltpu.async_copy(g_hbm.at[src_all.at[j]], buf, sem)

        def g_wait(buf, sem):
            pltpu.make_async_copy(g_hbm.at[src_all.at[0]], buf, sem).wait()

        def do_scatter(j, buf):
            pltpu.sync_copy(buf, acc.at[dst_all.at[j]], add=True)

        g_start(0, rows0, gs0)
        g_start(1, rows1, gs1)

        def pair_body(i, _):
            j0 = 2 * i
            g_wait(rows0, gs0)
            do_scatter(j0, rows0)

            @pl.when(j0 + 2 < nchunk)
            def _():
                g_start(j0 + 2, rows0, gs0)

            g_wait(rows1, gs1)
            do_scatter(j0 + 1, rows1)

            @pl.when(j0 + 3 < nchunk)
            def _():
                g_start(j0 + 3, rows1, gs1)

            return 0

        lax.fori_loop(0, nchunk // 2, pair_body, 0)
        if nchunk % 2:
            g_wait(rows0, gs0)
            do_scatter(nchunk - 1, rows0)
        plsc.subcore_barrier()

        pltpu.sync_copy(acc.at[pl.ds(r0, rz), :],
                        out_hbm.at[c, pl.ds(r0, rz), :])

    mesh = plsc.VectorSubcoreMesh(core_axis_name="c", subcore_axis_name="s")
    kfn = pl.kernel(
        body,
        mesh=mesh,
        out_type=[jax.ShapeDtypeStruct((NC, npad, width), jnp.float32)],
        scratch_types=[
            pltpu.VMEM((nchunk, CHUNK), jnp.int32),
            pltpu.VMEM((nchunk, CHUNK), jnp.int32),
            pltpu.VMEM((CHUNK, width), jnp.float32),
            pltpu.VMEM((CHUNK, width), jnp.float32),
            pltpu.VMEM((ZR, width), jnp.float32),
            pltpu.VMEM_SHARED((npad, width), jnp.float32),
            pltpu.SemaphoreType.DMA,
            pltpu.SemaphoreType.DMA,
        ],
        compiler_params=pltpu.CompilerParams(use_tc_tiling_on_sc=False),
    )
    return kfn(ei4, g)[0]


def _tc_layer0(p2, xp, degE, degO, W0L, W0R, W1):
    m = p2.shape[1]
    half = W0L.shape[1]
    hid = W0L.shape[0]
    nz = W1.shape[0]
    R = m // 2

    def body(p_ref, x_ref, de_ref, do_ref, w0l_ref, w0r_ref, w1_ref, o_ref):
        invE = 1.0 / (de_ref[...] + 1.0)
        invO = 1.0 / (do_ref[...] + 1.0)
        rEL = p_ref[0][:, :half] + x_ref[:, :half]
        rER = p_ref[1][:, :half] + x_ref[:, half:2 * half]
        tE = lax.dot_general(rEL, w0l_ref[...], (((1,), (1,)), ((), ())),
                             preferred_element_type=jnp.float32)
        tE = tE + lax.dot_general(rER, w0r_ref[...], (((1,), (1,)), ((), ())),
                                  preferred_element_type=jnp.float32)
        hE = jnp.maximum(invE * tE, 0.0)
        o_ref[:, :nz] = lax.dot_general(hE, w1_ref[...],
                                        (((1,), (1,)), ((), ())),
                                        preferred_element_type=jnp.float32)
        rOL = p_ref[0][:, half:] + x_ref[:, 2 * half:3 * half]
        rOR = p_ref[1][:, half:] + x_ref[:, 3 * half:]
        tO = lax.dot_general(rOL, w0l_ref[...], (((1,), (1,)), ((), ())),
                             preferred_element_type=jnp.float32)
        tO = tO + lax.dot_general(rOR, w0r_ref[...], (((1,), (1,)), ((), ())),
                                  preferred_element_type=jnp.float32)
        hO = jnp.maximum(invO * tO, 0.0)
        o_ref[:, nz:] = lax.dot_general(hO, w1_ref[...],
                                        (((1,), (1,)), ((), ())),
                                        preferred_element_type=jnp.float32)

    return pl.pallas_call(
        body,
        grid=(m // R,),
        in_specs=[
            pl.BlockSpec((2, R, 2 * half), lambda i: (0, i, 0)),
            pl.BlockSpec((R, 4 * half), lambda i: (i, 0)),
            pl.BlockSpec((R, 1), lambda i: (i, 0)),
            pl.BlockSpec((R, 1), lambda i: (i, 0)),
            pl.BlockSpec((hid, half), lambda i: (0, 0)),
            pl.BlockSpec((hid, half), lambda i: (0, 0)),
            pl.BlockSpec((nz, hid), lambda i: (0, 0)),
        ],
        out_specs=pl.BlockSpec((R, 2 * nz), lambda i: (i, 0)),
        out_shape=jax.ShapeDtypeStruct((m, 2 * nz), jnp.float32),
    )(p2, xp, degE, degO, W0L, W0R, W1)


def _tc_layer1(q2, gp, degE, degO):
    m, w = gp.shape
    nz = w // 2
    R = m // 2

    def body(q_ref, g_ref, de_ref, do_ref, o_ref):
        invE = 1.0 / (de_ref[...] + 1.0)
        invO = 1.0 / (do_ref[...] + 1.0)
        s = q_ref[0] + q_ref[1] + g_ref[...]
        o_ref[:, :nz] = jnp.maximum(s[:, :nz] * invE, 0.0)
        o_ref[:, nz:] = jnp.maximum(s[:, nz:] * invO, 0.0)

    return pl.pallas_call(
        body,
        grid=(m // R,),
        in_specs=[
            pl.BlockSpec((2, R, w), lambda i: (0, i, 0)),
            pl.BlockSpec((R, w), lambda i: (i, 0)),
            pl.BlockSpec((R, 1), lambda i: (i, 0)),
            pl.BlockSpec((R, 1), lambda i: (i, 0)),
        ],
        out_specs=pl.BlockSpec((R, w), lambda i: (i, 0)),
        out_shape=jax.ShapeDtypeStruct((m, w), jnp.float32),
    )(q2, gp, degE, degO)


def kernel(x, edge_index, W0, W1):
    n, d_in = x.shape
    half = d_in // 2
    e = edge_index.shape[1]
    npad = ((n + 1023) // 1024) * 1024
    m = npad // 2

    ei4 = edge_index.astype(jnp.int32).reshape(2, NW, e // (NW * CHUNK), CHUNK)

    x2 = x.reshape(2 * n, half)
    xp = jnp.pad(x, ((0, npad - n), (0, 0))).reshape(m, 2 * d_in)

    p, deg2 = _sc_layer0(x2, ei4, npad, half)
    degE = deg2[0, 0:npad:2, None]
    degO = deg2[0, 1:npad:2, None]

    p2 = p.reshape(2, m, 2 * half)
    gp = _tc_layer0(p2, xp, degE, degO, W0[:, :half], W0[:, half:], W1)

    g = gp.reshape(npad, half)
    q = _sc_layer1(g, ei4, npad)

    out = _tc_layer1(q.reshape(2, m, 2 * half), gp, degE, degO)
    return out.reshape(npad, half)[:n]

# --- scband reference (transcript-rebuilt; emitter-appended) ---
"""Pipeline reference for scband-deepgmd-53704271069553 (READ-ONLY COPY).

The authoritative reference and input builder live on the scoring server;
editing this copy changes nothing except your own understanding.
"""

import jax, jax.numpy as jnp
import numpy as np

N = 10000
D_IN = 128
HID = 128
NZ = 64
E = 320000


def setup_inputs(seed: int = 0) -> dict:
    key = jax.random.key(seed)
    k1, k2, k3, k4 = jax.random.split(key, 4)
    x = jax.random.normal(k1, (N, D_IN), dtype=jnp.float32)
    edge_index = jax.random.randint(k2, (2, E), 0, N)
    # SAGEConv fc_neigh weights (bias=False), xavier-like scaling, shape [out, in]
    W0 = jax.random.normal(k3, (HID, D_IN), dtype=jnp.float32) * (1.0 / np.sqrt(D_IN))
    W1 = jax.random.normal(k4, (NZ, HID), dtype=jnp.float32) * (1.0 / np.sqrt(HID))
    return {"x": x, "edge_index": edge_index, "W0": W0, "W1": W1}


def _sage_gcn(h, src, dst, W):
    # DGL SAGEConv aggregator_type='gcn', bias=False:
    # neigh = sum over incoming edges of h[src]; rst = (neigh + h_self) / (in_deg + 1); out = fc_neigh(rst)
    msg = jnp.take(h, src, axis=0)
    neigh = jax.ops.segment_sum(msg, dst, num_segments=N)
    deg = jax.ops.segment_sum(jnp.ones((src.shape[0],), dtype=h.dtype), dst, num_segments=N)
    rst = (neigh + h) / (deg[:, None] + 1.0)
    return rst @ W.T


def reference(x, edge_index, W0, W1):
    src = edge_index[0]
    dst = edge_index[1]
    # Layer 0 (hidden): SAGEConv -> relu (dropout p=0 is identity; batch_norm disabled)
    h = _sage_gcn(x, src, dst, W0)
    h = jax.nn.relu(h)
    # Layer 1 (output to n_z)
    h = _sage_gcn(h, src, dst, W1)
    return jax.nn.relu(h)

if __name__ == "__main__":
    import jax
    _d = setup_inputs()
    print(jax.jit(kernel)(*tuple(_d.values())))

</pallas_src>

<mosaic_0001>
#map = affine_map<(d0, d1) -> (0, 0, 0, 0)>
#map1 = affine_map<(d0, d1) -> (0, 0)>
#map2 = affine_map<(d0, d1) -> (0, 0, 0)>
module attributes {stable_mosaic.version = 14 : i64} {
  func.func @body(%arg0: i32, %arg1: i32, %arg2: memref<2x32x125x80xi32, #tpu.memory_space<hbm>>, %arg3: memref<20000x64xf32, #tpu.memory_space<hbm>>, %arg4: memref<2x10240x64xf32, #tpu.memory_space<hbm>>, %arg5: memref<2x10240xf32, #tpu.memory_space<hbm>>, %arg6: memref<250x80xi32, #tpu.memory_space<vmem>>, %arg7: memref<250x80xi32, #tpu.memory_space<vmem>>, %arg8: memref<80x64xf32, #tpu.memory_space<vmem>>, %arg9: memref<80x64xf32, #tpu.memory_space<vmem>>, %arg10: memref<80x64xf32, #tpu.memory_space<vmem>>, %arg11: memref<80xf32, #tpu.memory_space<vmem>>, %arg12: memref<640xf32, #tpu.memory_space<vmem>>, %arg13: memref<10240x64xf32, #tpu.memory_space<vmem_shared>>, %arg14: memref<10240xf32, #tpu.memory_space<vmem_shared>>, %arg15: memref<!tpu.dma_semaphore, #tpu.memory_space<semaphore_mem>>, %arg16: memref<!tpu.dma_semaphore, #tpu.memory_space<semaphore_mem>>) attributes {dimension_semantics = [#tpu.dimension_semantics<core_parallel>, #tpu.dimension_semantics<subcore_parallel>], iteration_bounds = array<i64: 2, 16>, scalar_prefetch = 0 : i64, scratch_operands = 11 : i64, tpu.core_type = #tpu.core_type<sc_vector_subcore>, window_params = [{transform_indices = #map}, {transform_indices = #map1}, {transform_indices = #map2}, {transform_indices = #map1}]} {
    %mul3A = arith.constant 640 : i32
    %mul3A_0 = arith.muli %arg1, %mul3A : i32
    %mul3A_1 = arith.constant 2 : i32
    %mul3A_2 = arith.muli %mul3A_1, %arg1 : i32
    %run_scoped3A = arith.constant 0 : i32
    "tpu.region"() ({
      %run_scoped3A_79 = tpu.sem_alloc : memref<!tpu.dma_semaphore, #tpu.memory_space<semaphore_mem>>
      %dma_start3A_80 = arith.constant 0 : i32
      %dma_start3A_81 = arith.constant 0 : i32
      %dma_start3A_82 = tpu.memref_slice %arg6[%dma_start3A_80, %dma_start3A_81] : memref<250x80xi32, #tpu.memory_space<vmem>> -> memref<125x80xi32, #tpu.memory_space<vmem>>
      %dma_start3A_83 = arith.constant 0 : i32
      %dma_start3A_84 = arith.constant 0 : i32
      %dma_start3A_85 = tpu.memref_slice %arg2[%run_scoped3A, %mul3A_2, %dma_start3A_83, %dma_start3A_84] : memref<2x32x125x80xi32, #tpu.memory_space<hbm>> -> memref<1x1x125x80xi32, #tpu.memory_space<hbm>>
      %dma_start3A_86 = tpu.memref_squeeze %dma_start3A_85 : memref<1x1x125x80xi32, #tpu.memory_space<hbm>> -> memref<125x80xi32, #tpu.memory_space<hbm>>
      %dma_start3A_87 = arith.constant 0 : i32
      %dma_start3A_88 = arith.constant 0 : i32
      %dma_start3A_89 = tpu.memref_slice %arg6[%dma_start3A_87, %dma_start3A_88] : memref<250x80xi32, #tpu.memory_space<vmem>> -> memref<125x80xi32, #tpu.memory_space<vmem>>
      %dma_start3A_90 = arith.constant 0 : i32
      %dma_start3A_91 = arith.constant 0 : i32
      %dma_start3A_92 = tpu.memref_slice %arg2[%run_scoped3A, %mul3A_2, %dma_start3A_90, %dma_start3A_91] : memref<2x32x125x80xi32, #tpu.memory_space<hbm>> -> memref<1x1x125x80xi32, #tpu.memory_space<hbm>>
      %dma_start3A_93 = tpu.memref_squeeze %dma_start3A_92 : memref<1x1x125x80xi32, #tpu.memory_space<hbm>> -> memref<125x80xi32, #tpu.memory_space<hbm>>
      tpu.enqueue_dma source(%dma_start3A_93 : memref<125x80xi32, #tpu.memory_space<hbm>>) target(%dma_start3A_89 : memref<125x80xi32, #tpu.memory_space<vmem>>) target_semaphore(%run_scoped3A_79 : memref<!tpu.dma_semaphore, #tpu.memory_space<semaphore_mem>>)
      %dma_wait3A = arith.constant 0 : i32
      %dma_wait3A_94 = arith.constant 0 : i32
      %dma_wait3A_95 = tpu.memref_slice %arg6[%dma_wait3A, %dma_wait3A_94] : memref<250x80xi32, #tpu.memory_space<vmem>> -> memref<125x80xi32, #tpu.memory_space<vmem>>
      %dma_wait3A_96 = arith.constant 0 : i32
      %dma_wait3A_97 = arith.constant 0 : i32
      %dma_wait3A_98 = tpu.memref_slice %arg2[%run_scoped3A, %mul3A_2, %dma_wait3A_96, %dma_wait3A_97] : memref<2x32x125x80xi32, #tpu.memory_space<hbm>> -> memref<1x1x125x80xi32, #tpu.memory_space<hbm>>
      %dma_wait3A_99 = tpu.memref_squeeze %dma_wait3A_98 : memref<1x1x125x80xi32, #tpu.memory_space<hbm>> -> memref<125x80xi32, #tpu.memory_space<hbm>>
      %dma_wait3A_100 = arith.constant 0 : i32
      %dma_wait3A_101 = arith.constant 0 : i32
      %dma_wait3A_102 = tpu.memref_slice %arg6[%dma_wait3A_100, %dma_wait3A_101] : memref<250x80xi32, #tpu.memory_space<vmem>> -> memref<125x80xi32, #tpu.memory_space<vmem>>
      %dma_wait3A_103 = arith.constant 0 : i32
      %dma_wait3A_104 = arith.constant 0 : i32
      %dma_wait3A_105 = tpu.memref_slice %arg2[%run_scoped3A, %mul3A_2, %dma_wait3A_103, %dma_wait3A_104] : memref<2x32x125x80xi32, #tpu.memory_space<hbm>> -> memref<1x1x125x80xi32, #tpu.memory_space<hbm>>
      %dma_wait3A_106 = tpu.memref_squeeze %dma_wait3A_105 : memref<1x1x125x80xi32, #tpu.memory_space<hbm>> -> memref<125x80xi32, #tpu.memory_space<hbm>>
      tpu.wait_dma2 semaphore(%run_scoped3A_79 : memref<!tpu.dma_semaphore, #tpu.memory_space<semaphore_mem>>) src(%dma_wait3A_106 : memref<125x80xi32, #tpu.memory_space<hbm>>) dst(%dma_wait3A_102 : memref<125x80xi32, #tpu.memory_space<vmem>>)
      tpu.yield
    }) : () -> ()
    %mul3A_3 = arith.constant 2 : i32
    %mul3A_4 = arith.muli %mul3A_3, %arg1 : i32
    %add3A = arith.constant 1 : i32
    %add3A_5 = arith.addi %mul3A_4, %add3A : i32
    %run_scoped3A_6 = arith.constant 0 : i32
    "tpu.region"() ({
      %run_scoped3A_79 = tpu.sem_alloc : memref<!tpu.dma_semaphore, #tpu.memory_space<semaphore_mem>>
      %dma_start3A_80 = arith.constant 125 : i32
      %dma_start3A_81 = arith.constant 0 : i32
      %dma_start3A_82 = tpu.memref_slice %arg6[%dma_start3A_80, %dma_start3A_81] : memref<250x80xi32, #tpu.memory_space<vmem>> -> memref<125x80xi32, #tpu.memory_space<vmem>>
      %dma_start3A_83 = arith.constant 0 : i32
      %dma_start3A_84 = arith.constant 0 : i32
      %dma_start3A_85 = tpu.memref_slice %arg2[%run_scoped3A_6, %add3A_5, %dma_start3A_83, %dma_start3A_84] : memref<2x32x125x80xi32, #tpu.memory_space<hbm>> -> memref<1x1x125x80xi32, #tpu.memory_space<hbm>>
      %dma_start3A_86 = tpu.memref_squeeze %dma_start3A_85 : memref<1x1x125x80xi32, #tpu.memory_space<hbm>> -> memref<125x80xi32, #tpu.memory_space<hbm>>
      %dma_start3A_87 = arith.constant 125 : i32
      %dma_start3A_88 = arith.constant 0 : i32
      %dma_start3A_89 = tpu.memref_slice %arg6[%dma_start3A_87, %dma_start3A_88] : memref<250x80xi32, #tpu.memory_space<vmem>> -> memref<125x80xi32, #tpu.memory_space<vmem>>
      %dma_start3A_90 = arith.constant 0 : i32
      %dma_start3A_91 = arith.constant 0 : i32
      %dma_start3A_92 = tpu.memref_slice %arg2[%run_scoped3A_6, %add3A_5, %dma_start3A_90, %dma_start3A_91] : memref<2x32x125x80xi32, #tpu.memory_space<hbm>> -> memref<1x1x125x80xi32, #tpu.memory_space<hbm>>
      %dma_start3A_93 = tpu.memref_squeeze %dma_start3A_92 : memref<1x1x125x80xi32, #tpu.memory_space<hbm>> -> memref<125x80xi32, #tpu.memory_space<hbm>>
      tpu.enqueue_dma source(%dma_start3A_93 : memref<125x80xi32, #tpu.memory_space<hbm>>) target(%dma_start3A_89 : memref<125x80xi32, #tpu.memory_space<vmem>>) target_semaphore(%run_scoped3A_79 : memref<!tpu.dma_semaphore, #tpu.memory_space<semaphore_mem>>)
      %dma_wait3A = arith.constant 125 : i32
      %dma_wait3A_94 = arith.constant 0 : i32
      %dma_wait3A_95 = tpu.memref_slice %arg6[%dma_wait3A, %dma_wait3A_94] : memref<250x80xi32, #tpu.memory_space<vmem>> -> memref<125x80xi32, #tpu.memory_space<vmem>>
      %dma_wait3A_96 = arith.constant 0 : i32
      %dma_wait3A_97 = arith.constant 0 : i32
      %dma_wait3A_98 = tpu.memref_slice %arg2[%run_scoped3A_6, %add3A_5, %dma_wait3A_96, %dma_wait3A_97] : memref<2x32x125x80xi32, #tpu.memory_space<hbm>> -> memref<1x1x125x80xi32, #tpu.memory_space<hbm>>
      %dma_wait3A_99 = tpu.memref_squeeze %dma_wait3A_98 : memref<1x1x125x80xi32, #tpu.memory_space<hbm>> -> memref<125x80xi32, #tpu.memory_space<hbm>>
      %dma_wait3A_100 = arith.constant 125 : i32
      %dma_wait3A_101 = arith.constant 0 : i32
      %dma_wait3A_102 = tpu.memref_slice %arg6[%dma_wait3A_100, %dma_wait3A_101] : memref<250x80xi32, #tpu.memory_space<vmem>> -> memref<125x80xi32, #tpu.memory_space<vmem>>
      %dma_wait3A_103 = arith.constant 0 : i32
      %dma_wait3A_104 = arith.constant 0 : i32
      %dma_wait3A_105 = tpu.memref_slice %arg2[%run_scoped3A_6, %add3A_5, %dma_wait3A_103, %dma_wait3A_104] : memref<2x32x125x80xi32, #tpu.memory_space<hbm>> -> memref<1x1x125x80xi32, #tpu.memory_space<hbm>>
      %dma_wait3A_106 = tpu.memref_squeeze %dma_wait3A_105 : memref<1x1x125x80xi32, #tpu.memory_space<hbm>> -> memref<125x80xi32, #tpu.memory_space<hbm>>
      tpu.wait_dma2 semaphore(%run_scoped3A_79 : memref<!tpu.dma_semaphore, #tpu.memory_space<semaphore_mem>>) src(%dma_wait3A_106 : memref<125x80xi32, #tpu.memory_space<hbm>>) dst(%dma_wait3A_102 : memref<125x80xi32, #tpu.memory_space<vmem>>)
      tpu.yield
    }) : () -> ()
    %mul3A_7 = arith.constant 2 : i32
    %mul3A_8 = arith.muli %mul3A_7, %arg1 : i32
    %run_scoped3A_9 = arith.constant 1 : i32
    "tpu.region"() ({
      %run_scoped3A_79 = tpu.sem_alloc : memref<!tpu.dma_semaphore, #tpu.memory_space<semaphore_mem>>
      %dma_start3A_80 = arith.constant 0 : i32
      %dma_start3A_81 = arith.constant 0 : i32
      %dma_start3A_82 = tpu.memref_slice %arg7[%dma_start3A_80, %dma_start3A_81] : memref<250x80xi32, #tpu.memory_space<vmem>> -> memref<125x80xi32, #tpu.memory_space<vmem>>
      %dma_start3A_83 = arith.constant 0 : i32
      %dma_start3A_84 = arith.constant 0 : i32
      %dma_start3A_85 = tpu.memref_slice %arg2[%run_scoped3A_9, %mul3A_8, %dma_start3A_83, %dma_start3A_84] : memref<2x32x125x80xi32, #tpu.memory_space<hbm>> -> memref<1x1x125x80xi32, #tpu.memory_space<hbm>>
      %dma_start3A_86 = tpu.memref_squeeze %dma_start3A_85 : memref<1x1x125x80xi32, #tpu.memory_space<hbm>> -> memref<125x80xi32, #tpu.memory_space<hbm>>
      %dma_start3A_87 = arith.constant 0 : i32
      %dma_start3A_88 = arith.constant 0 : i32
      %dma_start3A_89 = tpu.memref_slice %arg7[%dma_start3A_87, %dma_start3A_88] : memref<250x80xi32, #tpu.memory_space<vmem>> -> memref<125x80xi32, #tpu.memory_space<vmem>>
      %dma_start3A_90 = arith.constant 0 : i32
      %dma_start3A_91 = arith.constant 0 : i32
      %dma_start3A_92 = tpu.memref_slice %arg2[%run_scoped3A_9, %mul3A_8, %dma_start3A_90, %dma_start3A_91] : memref<2x32x125x80xi32, #tpu.memory_space<hbm>> -> memref<1x1x125x80xi32, #tpu.memory_space<hbm>>
      %dma_start3A_93 = tpu.memref_squeeze %dma_start3A_92 : memref<1x1x125x80xi32, #tpu.memory_space<hbm>> -> memref<125x80xi32, #tpu.memory_space<hbm>>
      tpu.enqueue_dma source(%dma_start3A_93 : memref<125x80xi32, #tpu.memory_space<hbm>>) target(%dma_start3A_89 : memref<125x80xi32, #tpu.memory_space<vmem>>) target_semaphore(%run_scoped3A_79 : memref<!tpu.dma_semaphore, #tpu.memory_space<semaphore_mem>>)
      %dma_wait3A = arith.constant 0 : i32
      %dma_wait3A_94 = arith.constant 0 : i32
      %dma_wait3A_95 = tpu.memref_slice %arg7[%dma_wait3A, %dma_wait3A_94] : memref<250x80xi32, #tpu.memory_space<vmem>> -> memref<125x80xi32, #tpu.memory_space<vmem>>
      %dma_wait3A_96 = arith.constant 0 : i32
      %dma_wait3A_97 = arith.constant 0 : i32
      %dma_wait3A_98 = tpu.memref_slice %arg2[%run_scoped3A_9, %mul3A_8, %dma_wait3A_96, %dma_wait3A_97] : memref<2x32x125x80xi32, #tpu.memory_space<hbm>> -> memref<1x1x125x80xi32, #tpu.memory_space<hbm>>
      %dma_wait3A_99 = tpu.memref_squeeze %dma_wait3A_98 : memref<1x1x125x80xi32, #tpu.memory_space<hbm>> -> memref<125x80xi32, #tpu.memory_space<hbm>>
      %dma_wait3A_100 = arith.constant 0 : i32
      %dma_wait3A_101 = arith.constant 0 : i32
      %dma_wait3A_102 = tpu.memref_slice %arg7[%dma_wait3A_100, %dma_wait3A_101] : memref<250x80xi32, #tpu.memory_space<vmem>> -> memref<125x80xi32, #tpu.memory_space<vmem>>
      %dma_wait3A_103 = arith.constant 0 : i32
      %dma_wait3A_104 = arith.constant 0 : i32
      %dma_wait3A_105 = tpu.memref_slice %arg2[%run_scoped3A_9, %mul3A_8, %dma_wait3A_103, %dma_wait3A_104] : memref<2x32x125x80xi32, #tpu.memory_space<hbm>> -> memref<1x1x125x80xi32, #tpu.memory_space<hbm>>
      %dma_wait3A_106 = tpu.memref_squeeze %dma_wait3A_105 : memref<1x1x125x80xi32, #tpu.memory_space<hbm>> -> memref<125x80xi32, #tpu.memory_space<hbm>>
      tpu.wait_dma2 semaphore(%run_scoped3A_79 : memref<!tpu.dma_semaphore, #tpu.memory_space<semaphore_mem>>) src(%dma_wait3A_106 : memref<125x80xi32, #tpu.memory_space<hbm>>) dst(%dma_wait3A_102 : memref<125x80xi32, #tpu.memory_space<vmem>>)
      tpu.yield
    }) : () -> ()
    %mul3A_10 = arith.constant 2 : i32
    %mul3A_11 = arith.muli %mul3A_10, %arg1 : i32
    %add3A_12 = arith.constant 1 : i32
    %add3A_13 = arith.addi %mul3A_11, %add3A_12 : i32
    %run_scoped3A_14 = arith.constant 1 : i32
    "tpu.region"() ({
      %run_scoped3A_79 = tpu.sem_alloc : memref<!tpu.dma_semaphore, #tpu.memory_space<semaphore_mem>>
      %dma_start3A_80 = arith.constant 125 : i32
      %dma_start3A_81 = arith.constant 0 : i32
      %dma_start3A_82 = tpu.memref_slice %arg7[%dma_start3A_80, %dma_start3A_81] : memref<250x80xi32, #tpu.memory_space<vmem>> -> memref<125x80xi32, #tpu.memory_space<vmem>>
      %dma_start3A_83 = arith.constant 0 : i32
      %dma_start3A_84 = arith.constant 0 : i32
      %dma_start3A_85 = tpu.memref_slice %arg2[%run_scoped3A_14, %add3A_13, %dma_start3A_83, %dma_start3A_84] : memref<2x32x125x80xi32, #tpu.memory_space<hbm>> -> memref<1x1x125x80xi32, #tpu.memory_space<hbm>>
      %dma_start3A_86 = tpu.memref_squeeze %dma_start3A_85 : memref<1x1x125x80xi32, #tpu.memory_space<hbm>> -> memref<125x80xi32, #tpu.memory_space<hbm>>
      %dma_start3A_87 = arith.constant 125 : i32
      %dma_start3A_88 = arith.constant 0 : i32
      %dma_start3A_89 = tpu.memref_slice %arg7[%dma_start3A_87, %dma_start3A_88] : memref<250x80xi32, #tpu.memory_space<vmem>> -> memref<125x80xi32, #tpu.memory_space<vmem>>
      %dma_start3A_90 = arith.constant 0 : i32
      %dma_start3A_91 = arith.constant 0 : i32
      %dma_start3A_92 = tpu.memref_slice %arg2[%run_scoped3A_14, %add3A_13, %dma_start3A_90, %dma_start3A_91] : memref<2x32x125x80xi32, #tpu.memory_space<hbm>> -> memref<1x1x125x80xi32, #tpu.memory_space<hbm>>
      %dma_start3A_93 = tpu.memref_squeeze %dma_start3A_92 : memref<1x1x125x80xi32, #tpu.memory_space<hbm>> -> memref<125x80xi32, #tpu.memory_space<hbm>>
      tpu.enqueue_dma source(%dma_start3A_93 : memref<125x80xi32, #tpu.memory_space<hbm>>) target(%dma_start3A_89 : memref<125x80xi32, #tpu.memory_space<vmem>>) target_semaphore(%run_scoped3A_79 : memref<!tpu.dma_semaphore, #tpu.memory_space<semaphore_mem>>)
      %dma_wait3A = arith.constant 125 : i32
      %dma_wait3A_94 = arith.constant 0 : i32
      %dma_wait3A_95 = tpu.memref_slice %arg7[%dma_wait3A, %dma_wait3A_94] : memref<250x80xi32, #tpu.memory_space<vmem>> -> memref<125x80xi32, #tpu.memory_space<vmem>>
      %dma_wait3A_96 = arith.constant 0 : i32
      %dma_wait3A_97 = arith.constant 0 : i32
      %dma_wait3A_98 = tpu.memref_slice %arg2[%run_scoped3A_14, %add3A_13, %dma_wait3A_96, %dma_wait3A_97] : memref<2x32x125x80xi32, #tpu.memory_space<hbm>> -> memref<1x1x125x80xi32, #tpu.memory_space<hbm>>
      %dma_wait3A_99 = tpu.memref_squeeze %dma_wait3A_98 : memref<1x1x125x80xi32, #tpu.memory_space<hbm>> -> memref<125x80xi32, #tpu.memory_space<hbm>>
      %dma_wait3A_100 = arith.constant 125 : i32
      %dma_wait3A_101 = arith.constant 0 : i32
      %dma_wait3A_102 = tpu.memref_slice %arg7[%dma_wait3A_100, %dma_wait3A_101] : memref<250x80xi32, #tpu.memory_space<vmem>> -> memref<125x80xi32, #tpu.memory_space<vmem>>
      %dma_wait3A_103 = arith.constant 0 : i32
      %dma_wait3A_104 = arith.constant 0 : i32
      %dma_wait3A_105 = tpu.memref_slice %arg2[%run_scoped3A_14, %add3A_13, %dma_wait3A_103, %dma_wait3A_104] : memref<2x32x125x80xi32, #tpu.memory_space<hbm>> -> memref<1x1x125x80xi32, #tpu.memory_space<hbm>>
      %dma_wait3A_106 = tpu.memref_squeeze %dma_wait3A_105 : memref<1x1x125x80xi32, #tpu.memory_space<hbm>> -> memref<125x80xi32, #tpu.memory_space<hbm>>
      tpu.wait_dma2 semaphore(%run_scoped3A_79 : memref<!tpu.dma_semaphore, #tpu.memory_space<semaphore_mem>>) src(%dma_wait3A_106 : memref<125x80xi32, #tpu.memory_space<hbm>>) dst(%dma_wait3A_102 : memref<125x80xi32, #tpu.memory_space<vmem>>)
      tpu.yield
    }) : () -> ()
    %broadcast_in_dim3A = arith.constant 0 : i32
    %broadcast_in_dim3A_15 = vector.broadcast %broadcast_in_dim3A : i32 to vector<16xi32>
    %add3A_16 = vector.broadcast %arg0 : i32 to vector<16xi32>
    %add3A_17 = arith.addi %broadcast_in_dim3A_15, %add3A_16 : vector<16xi32>
    %scan3A = arith.constant 0 : i32
    %scan3A_18 = arith.constant 0 : i32
    %scan3A_19 = arith.constant 1250 : i32
    %scan3A_20 = arith.addi %scan3A_18, %scan3A_19 : i32
    %scan3A_21 = arith.constant 1 : i32
    %scan3A_22 = scf.for %scan3A_79 = %scan3A_18 to %scan3A_20 step %scan3A_21 iter_args(%scan3A_80 = %scan3A) -> (i32)  : i32 {
      %jit3A = arith.constant 5 : i32
      %div3A = arith.divsi %scan3A_79, %jit3A : i32
      %sign3A = arith.constant 0 : i32
      %sign3A_81 = arith.cmpi sgt, %scan3A_79, %sign3A : i32
      %sign3A_82 = arith.extui %sign3A_81 : i1 to i32
      %sign3A_83 = arith.constant 0 : i32
      %sign3A_84 = arith.cmpi slt, %scan3A_79, %sign3A_83 : i32
      %sign3A_85 = arith.extui %sign3A_84 : i1 to i32
      %sign3A_86 = arith.subi %sign3A_82, %sign3A_85 : i32
      %sign3A_87 = arith.constant 0 : i32
      %sign3A_88 = arith.cmpi sgt, %jit3A, %sign3A_87 : i32
      %sign3A_89 = arith.extui %sign3A_88 : i1 to i32
      %sign3A_90 = arith.constant 0 : i32
      %sign3A_91 = arith.cmpi slt, %jit3A, %sign3A_90 : i32
      %sign3A_92 = arith.extui %sign3A_91 : i1 to i32
      %sign3A_93 = arith.subi %sign3A_89, %sign3A_92 : i32
      %ne3A = arith.cmpi ne, %sign3A_86, %sign3A_93 : i32
      %rem3A = arith.remsi %scan3A_79, %jit3A : i32
      %ne3A_94 = arith.constant 0 : i32
      %ne3A_95 = arith.cmpi ne, %rem3A, %ne3A_94 : i32
      %and3A = arith.andi %ne3A, %ne3A_95 : i1
      %sub3A = arith.constant 1 : i32
      %sub3A_96 = arith.subi %div3A, %sub3A : i32
      %select_n3A = arith.select %and3A, %sub3A_96, %div3A : i32
      %jit3A_97 = arith.constant 5 : i32
      %eq3A = arith.constant 0 : i32
      %eq3A_98 = arith.cmpi eq, %jit3A_97, %eq3A : i32
      %jit3A_99 = arith.constant 1 : i32
      %select_n3A_100 = arith.select %eq3A_98, %jit3A_99, %jit3A_97 : i32
      %rem3A_101 = arith.remsi %scan3A_79, %select_n3A_100 : i32
      %ne3A_102 = arith.constant 0 : i32
      %ne3A_103 = arith.cmpi ne, %rem3A_101, %ne3A_102 : i32
      %lt3A = arith.constant 0 : i32
      %lt3A_104 = arith.cmpi slt, %rem3A_101, %lt3A : i32
      %lt3A_105 = arith.constant 0 : i32
      %lt3A_106 = arith.cmpi slt, %select_n3A_100, %lt3A_105 : i32
      %ne3A_107 = arith.xori %lt3A_104, %lt3A_106 : i1
      %and3A_108 = arith.andi %ne3A_107, %ne3A_103 : i1
      %add3A_109 = arith.addi %rem3A_101, %select_n3A_100 : i32
      %select_n3A_110 = arith.select %and3A_108, %add3A_109, %rem3A_101 : i32
      %mul3A_111 = arith.constant 16 : i32
      %mul3A_112 = arith.muli %select_n3A_110, %mul3A_111 : i32
      %get3A = arith.index_cast %select_n3A : i32 to index
      %get3A_113 = arith.index_cast %mul3A_112 : i32 to index
      %get3A_114 = tpu.vector_load %arg6[%get3A, %get3A_113] {strides = array<i32>} : memref<250x80xi32, #tpu.memory_space<vmem>>, vector<1x16xi32>,
      %get3A_115 = vector.shape_cast %get3A_114 : vector<1x16xi32> to vector<16xi32>
      %mul3A_116 = arith.constant 2 : i32
      %mul3A_117 = vector.broadcast %mul3A_116 : i32 to vector<16xi32>
      %mul3A_118 = arith.muli %get3A_115, %mul3A_117 : vector<16xi32>
      %add3A_119 = arith.addi %mul3A_118, %add3A_17 : vector<16xi32>
      %mul3A_120 = arith.constant 16 : i32
      %mul3A_121 = arith.muli %select_n3A_110, %mul3A_120 : i32
      %swap3A = arith.index_cast %select_n3A : i32 to index
      %swap3A_122 = arith.index_cast %mul3A_121 : i32 to index
      %swap3A_123 = tpu.vector_load %arg6[%swap3A, %swap3A_122] {strides = array<i32>} : memref<250x80xi32, #tpu.memory_space<vmem>>, vector<1x16xi32>,
      %swap3A_124 = vector.shape_cast %swap3A_123 : vector<1x16xi32> to vector<16xi32>
      %swap3A_125 = vector.shape_cast %add3A_119 : vector<16xi32> to vector<1x16xi32>
      tpu.vector_store %arg6[%swap3A, %swap3A_122], %swap3A_125 {strides = array<i32>} : memref<250x80xi32, #tpu.memory_space<vmem>>, vector<1x16xi32>,
      %scan3A_126 = arith.constant 0 : i32
      scf.yield %scan3A_126 : i32
    }
    %scan3A_23 = arith.constant 1250 : i32
    %broadcast_in_dim3A_24 = arith.constant 0.000000e+00 : f32
    %broadcast_in_dim3A_25 = vector.broadcast %broadcast_in_dim3A_24 : f32 to vector<16xf32>
    %scan3A_26 = arith.constant 0 : i32
    %scan3A_27 = arith.constant 0 : i32
    %scan3A_28 = arith.constant 320 : i32
    %scan3A_29 = arith.addi %scan3A_27, %scan3A_28 : i32
    %scan3A_30 = arith.constant 1 : i32
    %scan3A_31 = scf.for %scan3A_79 = %scan3A_27 to %scan3A_29 step %scan3A_30 iter_args(%scan3A_80 = %scan3A_26) -> (i32)  : i32 {
      %jit3A = arith.constant 4 : i32
      %div3A = arith.divsi %scan3A_79, %jit3A : i32
      %sign3A = arith.constant 0 : i32
      %sign3A_81 = arith.cmpi sgt, %scan3A_79, %sign3A : i32
      %sign3A_82 = arith.extui %sign3A_81 : i1 to i32
      %sign3A_83 = arith.constant 0 : i32
      %sign3A_84 = arith.cmpi slt, %scan3A_79, %sign3A_83 : i32
      %sign3A_85 = arith.extui %sign3A_84 : i1 to i32
      %sign3A_86 = arith.subi %sign3A_82, %sign3A_85 : i32
      %sign3A_87 = arith.constant 0 : i32
      %sign3A_88 = arith.cmpi sgt, %jit3A, %sign3A_87 : i32
      %sign3A_89 = arith.extui %sign3A_88 : i1 to i32
      %sign3A_90 = arith.constant 0 : i32
      %sign3A_91 = arith.cmpi slt, %jit3A, %sign3A_90 : i32
      %sign3A_92 = arith.extui %sign3A_91 : i1 to i32
      %sign3A_93 = arith.subi %sign3A_89, %sign3A_92 : i32
      %ne3A = arith.cmpi ne, %sign3A_86, %sign3A_93 : i32
      %rem3A = arith.remsi %scan3A_79, %jit3A : i32
      %ne3A_94 = arith.constant 0 : i32
      %ne3A_95 = arith.cmpi ne, %rem3A, %ne3A_94 : i32
      %and3A = arith.andi %ne3A, %ne3A_95 : i1
      %sub3A = arith.constant 1 : i32
      %sub3A_96 = arith.subi %div3A, %sub3A : i32
      %select_n3A = arith.select %and3A, %sub3A_96, %div3A : i32
      %jit3A_97 = arith.constant 4 : i32
      %eq3A = arith.constant 0 : i32
      %eq3A_98 = arith.cmpi eq, %jit3A_97, %eq3A : i32
      %jit3A_99 = arith.constant 1 : i32
      %select_n3A_100 = arith.select %eq3A_98, %jit3A_99, %jit3A_97 : i32
      %rem3A_101 = arith.remsi %scan3A_79, %select_n3A_100 : i32
      %ne3A_102 = arith.constant 0 : i32
      %ne3A_103 = arith.cmpi ne, %rem3A_101, %ne3A_102 : i32
      %lt3A = arith.constant 0 : i32
      %lt3A_104 = arith.cmpi slt, %rem3A_101, %lt3A : i32
      %lt3A_105 = arith.constant 0 : i32
      %lt3A_106 = arith.cmpi slt, %select_n3A_100, %lt3A_105 : i32
      %ne3A_107 = arith.xori %lt3A_104, %lt3A_106 : i1
      %and3A_108 = arith.andi %ne3A_107, %ne3A_103 : i1
      %add3A_109 = arith.addi %rem3A_101, %select_n3A_100 : i32
      %select_n3A_110 = arith.select %and3A_108, %add3A_109, %rem3A_101 : i32
      %mul3A_111 = arith.constant 16 : i32
      %mul3A_112 = arith.muli %select_n3A_110, %mul3A_111 : i32
      %swap3A = arith.index_cast %select_n3A : i32 to index
      %swap3A_113 = arith.index_cast %mul3A_112 : i32 to index
      %swap3A_114 = tpu.vector_load %arg10[%swap3A, %swap3A_113] {strides = array<i32>} : memref<80x64xf32, #tpu.memory_space<vmem>>, vector<1x16xf32>,
      %swap3A_115 = vector.shape_cast %swap3A_114 : vector<1x16xf32> to vector<16xf32>
      %swap3A_116 = vector.shape_cast %broadcast_in_dim3A_25 : vector<16xf32> to vector<1x16xf32>
      tpu.vector_store %arg10[%swap3A, %swap3A_113], %swap3A_116 {strides = array<i32>} : memref<80x64xf32, #tpu.memory_space<vmem>>, vector<1x16xf32>,
      %scan3A_117 = arith.constant 0 : i32
      scf.yield %scan3A_117 : i32
    }
    %scan3A_32 = arith.constant 320 : i32
    %broadcast_in_dim3A_33 = arith.constant 0.000000e+00 : f32
    %broadcast_in_dim3A_34 = vector.broadcast %broadcast_in_dim3A_33 : f32 to vector<16xf32>
    %scan3A_35 = arith.constant 0 : i32
    %scan3A_36 = arith.constant 0 : i32
    %scan3A_37 = arith.constant 40 : i32
    %scan3A_38 = arith.addi %scan3A_36, %scan3A_37 : i32
    %scan3A_39 = arith.constant 1 : i32
    %scan3A_40 = scf.for %scan3A_79 = %scan3A_36 to %scan3A_38 step %scan3A_39 iter_args(%scan3A_80 = %scan3A_35) -> (i32)  : i32 {
      %mul3A_81 = arith.constant 16 : i32
      %mul3A_82 = arith.muli %scan3A_79, %mul3A_81 : i32
      %swap3A = arith.index_cast %mul3A_82 : i32 to index
      %swap3A_83 = tpu.vector_load %arg12[%swap3A] {strides = array<i32>} : memref<640xf32, #tpu.memory_space<vmem>>, vector<16xf32>,
      %swap3A_84 = vector.shape_cast %swap3A_83 : vector<16xf32> to vector<16xf32>
      %swap3A_85 = vector.shape_cast %broadcast_in_dim3A_34 : vector<16xf32> to vector<16xf32>
      tpu.vector_store %arg12[%swap3A], %swap3A_85 {strides = array<i32>} : memref<640xf32, #tpu.memory_space<vmem>>, vector<16xf32>,
      %scan3A_86 = arith.constant 0 : i32
      scf.yield %scan3A_86 : i32
    }
    %scan3A_41 = arith.constant 40 : i32
    %broadcast_in_dim3A_42 = arith.constant 1.000000e+00 : f32
    %broadcast_in_dim3A_43 = vector.broadcast %broadcast_in_dim3A_42 : f32 to vector<16xf32>
    %scan3A_44 = arith.constant 0 : i32
    %scan3A_45 = arith.constant 0 : i32
    %scan3A_46 = arith.constant 5 : i32
    %scan3A_47 = arith.addi %scan3A_45, %scan3A_46 : i32
    %scan3A_48 = arith.constant 1 : i32
    %scan3A_49 = scf.for %scan3A_79 = %scan3A_45 to %scan3A_47 step %scan3A_48 iter_args(%scan3A_80 = %scan3A_44) -> (i32)  : i32 {
      %mul3A_81 = arith.constant 16 : i32
      %mul3A_82 = arith.muli %scan3A_79, %mul3A_81 : i32
      %swap3A = arith.index_cast %mul3A_82 : i32 to index
      %swap3A_83 = tpu.vector_load %arg11[%swap3A] {strides = array<i32>} : memref<80xf32, #tpu.memory_space<vmem>>, vector<16xf32>,
      %swap3A_84 = vector.shape_cast %swap3A_83 : vector<16xf32> to vector<16xf32>
      %swap3A_85 = vector.shape_cast %broadcast_in_dim3A_43 : vector<16xf32> to vector<16xf32>
      tpu.vector_store %arg11[%swap3A], %swap3A_85 {strides = array<i32>} : memref<80xf32, #tpu.memory_space<vmem>>, vector<16xf32>,
      %scan3A_86 = arith.constant 0 : i32
      scf.yield %scan3A_86 : i32
    }
    %scan3A_50 = arith.constant 5 : i32
    %scan3A_51 = arith.constant 0 : i32
    %scan3A_52 = arith.constant 0 : i32
    %scan3A_53 = arith.constant 8 : i32
    %scan3A_54 = arith.addi %scan3A_52, %scan3A_53 : i32
    %scan3A_55 = arith.constant 1 : i32
    %scan3A_56 = scf.for %scan3A_79 = %scan3A_52 to %scan3A_54 step %scan3A_55 iter_args(%scan3A_80 = %scan3A_51) -> (i32)  : i32 {
      %mul3A_81 = arith.constant 80 : i32
      %mul3A_82 = arith.muli %scan3A_79, %mul3A_81 : i32
      %add3A_83 = arith.addi %mul3A_0, %mul3A_82 : i32
      "tpu.region"() ({
        %run_scoped3A_85 = tpu.sem_alloc : memref<!tpu.dma_semaphore, #tpu.memory_space<semaphore_mem>>
        %dma_start3A_86 = arith.constant 0 : i32
        %dma_start3A_87 = tpu.memref_slice %arg13[%add3A_83, %dma_start3A_86] : memref<10240x64xf32, #tpu.memory_space<vmem_shared>> -> memref<80x64xf32, #tpu.memory_space<vmem_shared>>
        %dma_start3A_88 = arith.constant 0 : i32
        %dma_start3A_89 = tpu.memref_slice %arg13[%add3A_83, %dma_start3A_88] : memref<10240x64xf32, #tpu.memory_space<vmem_shared>> -> memref<80x64xf32, #tpu.memory_space<vmem_shared>>
        tpu.enqueue_dma source(%arg10 : memref<80x64xf32, #tpu.memory_space<vmem>>) target(%dma_start3A_89 : memref<80x64xf32, #tpu.memory_space<vmem_shared>>) target_semaphore(%run_scoped3A_85 : memref<!tpu.dma_semaphore, #tpu.memory_space<semaphore_mem>>)
        %dma_wait3A = arith.constant 0 : i32
        %dma_wait3A_90 = tpu.memref_slice %arg13[%add3A_83, %dma_wait3A] : memref<10240x64xf32, #tpu.memory_space<vmem_shared>> -> memref<80x64xf32, #tpu.memory_space<vmem_shared>>
        %dma_wait3A_91 = arith.constant 0 : i32
        %dma_wait3A_92 = tpu.memref_slice %arg13[%add3A_83, %dma_wait3A_91] : memref<10240x64xf32, #tpu.memory_space<vmem_shared>> -> memref<80x64xf32, #tpu.memory_space<vmem_shared>>
        tpu.wait_dma2 semaphore(%run_scoped3A_85 : memref<!tpu.dma_semaphore, #tpu.memory_space<semaphore_mem>>) src(%arg10 : memref<80x64xf32, #tpu.memory_space<vmem>>) dst(%dma_wait3A_92 : memref<80x64xf32, #tpu.memory_space<vmem_shared>>)
        tpu.yield
      }) : () -> ()
      %scan3A_84 = arith.constant 0 : i32
      scf.yield %scan3A_84 : i32
    }
    %scan3A_57 = arith.constant 8 : i32
    "tpu.region"() ({
      %run_scoped3A_79 = tpu.sem_alloc : memref<!tpu.dma_semaphore, #tpu.memory_space<semaphore_mem>>
      %dma_start3A_80 = tpu.memref_slice %arg14[%mul3A_0] : memref<10240xf32, #tpu.memory_space<vmem_shared>> -> memref<640xf32, #tpu.memory_space<vmem_shared>>
      %dma_start3A_81 = tpu.memref_slice %arg14[%mul3A_0] : memref<10240xf32, #tpu.memory_space<vmem_shared>> -> memref<640xf32, #tpu.memory_space<vmem_shared>>
      tpu.enqueue_dma source(%arg12 : memref<640xf32, #tpu.memory_space<vmem>>) target(%dma_start3A_81 : memref<640xf32, #tpu.memory_space<vmem_shared>>) target_semaphore(%run_scoped3A_79 : memref<!tpu.dma_semaphore, #tpu.memory_space<semaphore_mem>>)
      %dma_wait3A = tpu.memref_slice %arg14[%mul3A_0] : memref<10240xf32, #tpu.memory_space<vmem_shared>> -> memref<640xf32, #tpu.memory_space<vmem_shared>>
      %dma_wait3A_82 = tpu.memref_slice %arg14[%mul3A_0] : memref<10240xf32, #tpu.memory_space<vmem_shared>> -> memref<640xf32, #tpu.memory_space<vmem_shared>>
      tpu.wait_dma2 semaphore(%run_scoped3A_79 : memref<!tpu.dma_semaphore, #tpu.memory_space<semaphore_mem>>) src(%arg12 : memref<640xf32, #tpu.memory_space<vmem>>) dst(%dma_wait3A_82 : memref<640xf32, #tpu.memory_space<vmem_shared>>)
      tpu.yield
    }) : () -> ()
    %barrier3A = arith.constant 0 : index
    tpu.barrier barrier_id(%barrier3A)
    %dma_start3A = arith.constant 0 : i32
    %dma_start3A_58 = arith.constant 0 : i32
    %dma_start3A_59 = tpu.memref_slice %arg6[%dma_start3A, %dma_start3A_58] : memref<250x80xi32, #tpu.memory_space<vmem>> -> memref<1x80xi32, #tpu.memory_space<vmem>>
    %dma_start3A_60 = tpu.memref_squeeze %dma_start3A_59 : memref<1x80xi32, #tpu.memory_space<vmem>> -> memref<80xi32, #tpu.memory_space<vmem>>
    %dma_start3A_61 = arith.constant 0 : i32
    %dma_start3A_62 = arith.constant 0 : i32
    %dma_start3A_63 = tpu.memref_slice %arg3[%dma_start3A_61, %dma_start3A_62] : memref<20000x64xf32, #tpu.memory_space<hbm>> -> memref<20000x64xf32, #tpu.memory_space<hbm>>
    tpu.enqueue_indirect_dma source(%dma_start3A_63 : memref<20000x64xf32, #tpu.memory_space<hbm>>) target(%arg8 : memref<80x64xf32, #tpu.memory_space<vmem>>) offsets(%dma_start3A_60 : memref<80xi32, #tpu.memory_space<vmem>>) semaphore(%arg15 : memref<!tpu.dma_semaphore, #tpu.memory_space<semaphore_mem>>)
    %dma_start3A_64 = arith.constant 1 : i32
    %dma_start3A_65 = arith.constant 0 : i32
    %dma_start3A_66 = tpu.memref_slice %arg6[%dma_start3A_64, %dma_start3A_65] : memref<250x80xi32, #tpu.memory_space<vmem>> -> memref<1x80xi32, #tpu.memory_space<vmem>>
    %dma_start3A_67 = tpu.memref_squeeze %dma_start3A_66 : memref<1x80xi32, #tpu.memory_space<vmem>> -> memref<80xi32, #tpu.memory_space<vmem>>
    %dma_start3A_68 = arith.constant 0 : i32
    %dma_start3A_69 = arith.constant 0 : i32
    %dma_start3A_70 = tpu.memref_slice %arg3[%dma_start3A_68, %dma_start3A_69] : memref<20000x64xf32, #tpu.memory_space<hbm>> -> memref<20000x64xf32, #tpu.memory_space<hbm>>
    tpu.enqueue_indirect_dma source(%dma_start3A_70 : memref<20000x64xf32, #tpu.memory_space<hbm>>) target(%arg9 : memref<80x64xf32, #tpu.memory_space<vmem>>) offsets(%dma_start3A_67 : memref<80xi32, #tpu.memory_space<vmem>>) semaphore(%arg16 : memref<!tpu.dma_semaphore, #tpu.memory_space<semaphore_mem>>)
    %scan3A_71 = arith.constant 0 : i32
    %scan3A_72 = arith.constant 0 : i32
    %scan3A_73 = arith.constant 125 : i32
    %scan3A_74 = arith.addi %scan3A_72, %scan3A_73 : i32
    %scan3A_75 = arith.constant 1 : i32
    %scan3A_76 = scf.for %scan3A_79 = %scan3A_72 to %scan3A_74 step %scan3A_75 iter_args(%scan3A_80 = %scan3A_71) -> (i32)  : i32 {
      %mul3A_81 = arith.constant 2 : i32
      %mul3A_82 = arith.muli %mul3A_81, %scan3A_79 : i32
      %dma_wait3A = arith.constant 0 : i32
      %dma_wait3A_83 = arith.constant 0 : i32
      %dma_wait3A_84 = tpu.memref_slice %arg6[%dma_wait3A, %dma_wait3A_83] : memref<250x80xi32, #tpu.memory_space<vmem>> -> memref<1x80xi32, #tpu.memory_space<vmem>>
      %dma_wait3A_85 = tpu.memref_squeeze %dma_wait3A_84 : memref<1x80xi32, #tpu.memory_space<vmem>> -> memref<80xi32, #tpu.memory_space<vmem>>
      %dma_wait3A_86 = arith.constant 0 : i32
      %dma_wait3A_87 = arith.constant 0 : i32
      %dma_wait3A_88 = tpu.memref_slice %arg3[%dma_wait3A_86, %dma_wait3A_87] : memref<20000x64xf32, #tpu.memory_space<hbm>> -> memref<20000x64xf32, #tpu.memory_space<hbm>>
      tpu.wait_indirect_dma semaphore(%arg15 : memref<!tpu.dma_semaphore, #tpu.memory_space<semaphore_mem>>) src(%dma_wait3A_88 : memref<20000x64xf32, #tpu.memory_space<hbm>>) dst(%arg8 : memref<80x64xf32, #tpu.memory_space<vmem>>)
      "tpu.region"() ({
        %run_scoped3A_110 = tpu.sem_alloc : memref<!tpu.dma_semaphore, #tpu.memory_space<semaphore_mem>>
        %dma_start3A_111 = arith.constant 0 : i32
        %dma_start3A_112 = tpu.memref_slice %arg7[%mul3A_82, %dma_start3A_111] : memref<250x80xi32, #tpu.memory_space<vmem>> -> memref<1x80xi32, #tpu.memory_space<vmem>>
        %dma_start3A_113 = tpu.memref_squeeze %dma_start3A_112 : memref<1x80xi32, #tpu.memory_space<vmem>> -> memref<80xi32, #tpu.memory_space<vmem>>
        %dma_start3A_114 = arith.constant 0 : i32
        %dma_start3A_115 = arith.constant 0 : i32
        %dma_start3A_116 = tpu.memref_slice %arg13[%dma_start3A_114, %dma_start3A_115] : memref<10240x64xf32, #tpu.memory_space<vmem_shared>> -> memref<10240x64xf32, #tpu.memory_space<vmem_shared>>
        tpu.enqueue_indirect_dma source(%arg8 : memref<80x64xf32, #tpu.memory_space<vmem>>) target(%dma_start3A_116 : memref<10240x64xf32, #tpu.memory_space<vmem_shared>>) offsets(%dma_start3A_113 : memref<80xi32, #tpu.memory_space<vmem>>) semaphore(%run_scoped3A_110 : memref<!tpu.dma_semaphore, #tpu.memory_space<semaphore_mem>>) {add = true}
        %dma_wait3A_117 = arith.constant 0 : i32
        %dma_wait3A_118 = tpu.memref_slice %arg7[%mul3A_82, %dma_wait3A_117] : memref<250x80xi32, #tpu.memory_space<vmem>> -> memref<1x80xi32, #tpu.memory_space<vmem>>
        %dma_wait3A_119 = tpu.memref_squeeze %dma_wait3A_118 : memref<1x80xi32, #tpu.memory_space<vmem>> -> memref<80xi32, #tpu.memory_space<vmem>>
        %dma_wait3A_120 = arith.constant 0 : i32
        %dma_wait3A_121 = arith.constant 0 : i32
        %dma_wait3A_122 = tpu.memref_slice %arg13[%dma_wait3A_120, %dma_wait3A_121] : memref<10240x64xf32, #tpu.memory_space<vmem_shared>> -> memref<10240x64xf32, #tpu.memory_space<vmem_shared>>
        tpu.wait_indirect_dma semaphore(%run_scoped3A_110 : memref<!tpu.dma_semaphore, #tpu.memory_space<semaphore_mem>>) src(%arg8 : memref<80x64xf32, #tpu.memory_space<vmem>>) dst(%dma_wait3A_122 : memref<10240x64xf32, #tpu.memory_space<vmem_shared>>)
        tpu.yield
      }) : () -> ()
      "tpu.region"() ({
        %run_scoped3A_110 = tpu.sem_alloc : memref<!tpu.dma_semaphore, #tpu.memory_space<semaphore_mem>>
        %dma_start3A_111 = arith.constant 0 : i32
        %dma_start3A_112 = tpu.memref_slice %arg7[%mul3A_82, %dma_start3A_111] : memref<250x80xi32, #tpu.memory_space<vmem>> -> memref<1x80xi32, #tpu.memory_space<vmem>>
        %dma_start3A_113 = tpu.memref_squeeze %dma_start3A_112 : memref<1x80xi32, #tpu.memory_space<vmem>> -> memref<80xi32, #tpu.memory_space<vmem>>
        %dma_start3A_114 = arith.constant 0 : i32
        %dma_start3A_115 = tpu.memref_slice %arg14[%dma_start3A_114] : memref<10240xf32, #tpu.memory_space<vmem_shared>> -> memref<10240xf32, #tpu.memory_space<vmem_shared>>
        tpu.enqueue_indirect_dma source(%arg11 : memref<80xf32, #tpu.memory_space<vmem>>) target(%dma_start3A_115 : memref<10240xf32, #tpu.memory_space<vmem_shared>>) offsets(%dma_start3A_113 : memref<80xi32, #tpu.memory_space<vmem>>) semaphore(%run_scoped3A_110 : memref<!tpu.dma_semaphore, #tpu.memory_space<semaphore_mem>>) {add = true}
        %dma_wait3A_116 = arith.constant 0 : i32
        %dma_wait3A_117 = tpu.memref_slice %arg7[%mul3A_82, %dma_wait3A_116] : memref<250x80xi32, #tpu.memory_space<vmem>> -> memref<1x80xi32, #tpu.memory_space<vmem>>
        %dma_wait3A_118 = tpu.memref_squeeze %dma_wait3A_117 : memref<1x80xi32, #tpu.memory_space<vmem>> -> memref<80xi32, #tpu.memory_space<vmem>>
        %dma_wait3A_119 = arith.constant 0 : i32
        %dma_wait3A_120 = tpu.memref_slice %arg14[%dma_wait3A_119] : memref<10240xf32, #tpu.memory_space<vmem_shared>> -> memref<10240xf32, #tpu.memory_space<vmem_shared>>
        tpu.wait_indirect_dma semaphore(%run_scoped3A_110 : memref<!tpu.dma_semaphore, #tpu.memory_space<semaphore_mem>>) src(%arg11 : memref<80xf32, #tpu.memory_space<vmem>>) dst(%dma_wait3A_120 : memref<10240xf32, #tpu.memory_space<vmem_shared>>)
        tpu.yield
      }) : () -> ()
      %add3A_89 = arith.constant 2 : i32
      %add3A_90 = arith.addi %mul3A_82, %add3A_89 : i32
      %lt3A = arith.constant 250 : i32
      %lt3A_91 = arith.cmpi slt, %add3A_90, %lt3A : i32
      %convert_element_type3A = arith.extui %lt3A_91 : i1 to i32
      %cond3A = arith.constant 0 : i32
      %cond3A_92 = arith.cmpi ne, %convert_element_type3A, %cond3A : i32
      scf.if %cond3A_92 {
        %add3A_110 = arith.constant 2 : i32
        %add3A_111 = arith.addi %mul3A_82, %add3A_110 : i32
        %dma_start3A_112 = arith.constant 0 : i32
        %dma_start3A_113 = tpu.memref_slice %arg6[%add3A_111, %dma_start3A_112] : memref<250x80xi32, #tpu.memory_space<vmem>> -> memref<1x80xi32, #tpu.memory_space<vmem>>
        %dma_start3A_114 = tpu.memref_squeeze %dma_start3A_113 : memref<1x80xi32, #tpu.memory_space<vmem>> -> memref<80xi32, #tpu.memory_space<vmem>>
        %dma_start3A_115 = arith.constant 0 : i32
        %dma_start3A_116 = arith.constant 0 : i32
        %dma_start3A_117 = tpu.memref_slice %arg3[%dma_start3A_115, %dma_start3A_116] : memref<20000x64xf32, #tpu.memory_space<hbm>> -> memref<20000x64xf32, #tpu.memory_space<hbm>>
        tpu.enqueue_indirect_dma source(%dma_start3A_117 : memref<20000x64xf32, #tpu.memory_space<hbm>>) target(%arg8 : memref<80x64xf32, #tpu.memory_space<vmem>>) offsets(%dma_start3A_114 : memref<80xi32, #tpu.memory_space<vmem>>) semaphore(%arg15 : memref<!tpu.dma_semaphore, #tpu.memory_space<semaphore_mem>>)
      } else {
      }
      %dma_wait3A_93 = arith.constant 0 : i32
      %dma_wait3A_94 = arith.constant 0 : i32
      %dma_wait3A_95 = tpu.memref_slice %arg6[%dma_wait3A_93, %dma_wait3A_94] : memref<250x80xi32, #tpu.memory_space<vmem>> -> memref<1x80xi32, #tpu.memory_space<vmem>>
      %dma_wait3A_96 = tpu.memref_squeeze %dma_wait3A_95 : memref<1x80xi32, #tpu.memory_space<vmem>> -> memref<80xi32, #tpu.memory_space<vmem>>
      %dma_wait3A_97 = arith.constant 0 : i32
      %dma_wait3A_98 = arith.constant 0 : i32
      %dma_wait3A_99 = tpu.memref_slice %arg3[%dma_wait3A_97, %dma_wait3A_98] : memref<20000x64xf32, #tpu.memory_space<hbm>> -> memref<20000x64xf32, #tpu.memory_space<hbm>>
      tpu.wait_indirect_dma semaphore(%arg16 : memref<!tpu.dma_semaphore, #tpu.memory_space<semaphore_mem>>) src(%dma_wait3A_99 : memref<20000x64xf32, #tpu.memory_space<hbm>>) dst(%arg9 : memref<80x64xf32, #tpu.memory_space<vmem>>)
      %add3A_100 = arith.constant 1 : i32
      %add3A_101 = arith.addi %mul3A_82, %add3A_100 : i32
      "tpu.region"() ({
        %run_scoped3A_110 = tpu.sem_alloc : memref<!tpu.dma_semaphore, #tpu.memory_space<semaphore_mem>>
        %dma_start3A_111 = arith.constant 0 : i32
        %dma_start3A_112 = tpu.memref_slice %arg7[%add3A_101, %dma_start3A_111] : memref<250x80xi32, #tpu.memory_space<vmem>> -> memref<1x80xi32, #tpu.memory_space<vmem>>
        %dma_start3A_113 = tpu.memref_squeeze %dma_start3A_112 : memref<1x80xi32, #tpu.memory_space<vmem>> -> memref<80xi32, #tpu.memory_space<vmem>>
        %dma_start3A_114 = arith.constant 0 : i32
        %dma_start3A_115 = arith.constant 0 : i32
        %dma_start3A_116 = tpu.memref_slice %arg13[%dma_start3A_114, %dma_start3A_115] : memref<10240x64xf32, #tpu.memory_space<vmem_shared>> -> memref<10240x64xf32, #tpu.memory_space<vmem_shared>>
        tpu.enqueue_indirect_dma source(%arg9 : memref<80x64xf32, #tpu.memory_space<vmem>>) target(%dma_start3A_116 : memref<10240x64xf32, #tpu.memory_space<vmem_shared>>) offsets(%dma_start3A_113 : memref<80xi32, #tpu.memory_space<vmem>>) semaphore(%run_scoped3A_110 : memref<!tpu.dma_semaphore, #tpu.memory_space<semaphore_mem>>) {add = true}
        %dma_wait3A_117 = arith.constant 0 : i32
        %dma_wait3A_118 = tpu.memref_slice %arg7[%add3A_101, %dma_wait3A_117] : memref<250x80xi32, #tpu.memory_space<vmem>> -> memref<1x80xi32, #tpu.memory_space<vmem>>
        %dma_wait3A_119 = tpu.memref_squeeze %dma_wait3A_118 : memref<1x80xi32, #tpu.memory_space<vmem>> -> memref<80xi32, #tpu.memory_space<vmem>>
        %dma_wait3A_120 = arith.constant 0 : i32
        %dma_wait3A_121 = arith.constant 0 : i32
        %dma_wait3A_122 = tpu.memref_slice %arg13[%dma_wait3A_120, %dma_wait3A_121] : memref<10240x64xf32, #tpu.memory_space<vmem_shared>> -> memref<10240x64xf32, #tpu.memory_space<vmem_shared>>
        tpu.wait_indirect_dma semaphore(%run_scoped3A_110 : memref<!tpu.dma_semaphore, #tpu.memory_space<semaphore_mem>>) src(%arg9 : memref<80x64xf32, #tpu.memory_space<vmem>>) dst(%dma_wait3A_122 : memref<10240x64xf32, #tpu.memory_space<vmem_shared>>)
        tpu.yield
      }) : () -> ()
      "tpu.region"() ({
        %run_scoped3A_110 = tpu.sem_alloc : memref<!tpu.dma_semaphore, #tpu.memory_space<semaphore_mem>>
        %dma_start3A_111 = arith.constant 0 : i32
        %dma_start3A_112 = tpu.memref_slice %arg7[%add3A_101, %dma_start3A_111] : memref<250x80xi32, #tpu.memory_space<vmem>> -> memref<1x80xi32, #tpu.memory_space<vmem>>
        %dma_start3A_113 = tpu.memref_squeeze %dma_start3A_112 : memref<1x80xi32, #tpu.memory_space<vmem>> -> memref<80xi32, #tpu.memory_space<vmem>>
        %dma_start3A_114 = arith.constant 0 : i32
        %dma_start3A_115 = tpu.memref_slice %arg14[%dma_start3A_114] : memref<10240xf32, #tpu.memory_space<vmem_shared>> -> memref<10240xf32, #tpu.memory_space<vmem_shared>>
        tpu.enqueue_indirect_dma source(%arg11 : memref<80xf32, #tpu.memory_space<vmem>>) target(%dma_start3A_115 : memref<10240xf32, #tpu.memory_space<vmem_shared>>) offsets(%dma_start3A_113 : memref<80xi32, #tpu.memory_space<vmem>>) semaphore(%run_scoped3A_110 : memref<!tpu.dma_semaphore, #tpu.memory_space<semaphore_mem>>) {add = true}
        %dma_wait3A_116 = arith.constant 0 : i32
        %dma_wait3A_117 = tpu.memref_slice %arg7[%add3A_101, %dma_wait3A_116] : memref<250x80xi32, #tpu.memory_space<vmem>> -> memref<1x80xi32, #tpu.memory_space<vmem>>
        %dma_wait3A_118 = tpu.memref_squeeze %dma_wait3A_117 : memref<1x80xi32, #tpu.memory_space<vmem>> -> memref<80xi32, #tpu.memory_space<vmem>>
        %dma_wait3A_119 = arith.constant 0 : i32
        %dma_wait3A_120 = tpu.memref_slice %arg14[%dma_wait3A_119] : memref<10240xf32, #tpu.memory_space<vmem_shared>> -> memref<10240xf32, #tpu.memory_space<vmem_shared>>
        tpu.wait_indirect_dma semaphore(%run_scoped3A_110 : memref<!tpu.dma_semaphore, #tpu.memory_space<semaphore_mem>>) src(%arg11 : memref<80xf32, #tpu.memory_space<vmem>>) dst(%dma_wait3A_120 : memref<10240xf32, #tpu.memory_space<vmem_shared>>)
        tpu.yield
      }) : () -> ()
      %add3A_102 = arith.constant 3 : i32
      %add3A_103 = arith.addi %mul3A_82, %add3A_102 : i32
      %lt3A_104 = arith.constant 250 : i32
      %lt3A_105 = arith.cmpi slt, %add3A_103, %lt3A_104 : i32
      %convert_element_type3A_106 = arith.extui %lt3A_105 : i1 to i32
      %cond3A_107 = arith.constant 0 : i32
      %cond3A_108 = arith.cmpi ne, %convert_element_type3A_106, %cond3A_107 : i32
      scf.if %cond3A_108 {
        %add3A_110 = arith.constant 3 : i32
        %add3A_111 = arith.addi %mul3A_82, %add3A_110 : i32
        %dma_start3A_112 = arith.constant 0 : i32
        %dma_start3A_113 = tpu.memref_slice %arg6[%add3A_111, %dma_start3A_112] : memref<250x80xi32, #tpu.memory_space<vmem>> -> memref<1x80xi32, #tpu.memory_space<vmem>>
        %dma_start3A_114 = tpu.memref_squeeze %dma_start3A_113 : memref<1x80xi32, #tpu.memory_space<vmem>> -> memref<80xi32, #tpu.memory_space<vmem>>
        %dma_start3A_115 = arith.constant 0 : i32
        %dma_start3A_116 = arith.constant 0 : i32
        %dma_start3A_117 = tpu.memref_slice %arg3[%dma_start3A_115, %dma_start3A_116] : memref<20000x64xf32, #tpu.memory_space<hbm>> -> memref<20000x64xf32, #tpu.memory_space<hbm>>
        tpu.enqueue_indirect_dma source(%dma_start3A_117 : memref<20000x64xf32, #tpu.memory_space<hbm>>) target(%arg9 : memref<80x64xf32, #tpu.memory_space<vmem>>) offsets(%dma_start3A_114 : memref<80xi32, #tpu.memory_space<vmem>>) semaphore(%arg16 : memref<!tpu.dma_semaphore, #tpu.memory_space<semaphore_mem>>)
      } else {
      }
      %scan3A_109 = arith.constant 0 : i32
      scf.yield %scan3A_109 : i32
    }
    %scan3A_77 = arith.constant 125 : i32
    %barrier3A_78 = arith.constant 0 : index
    tpu.barrier barrier_id(%barrier3A_78)
    "tpu.region"() ({
      %run_scoped3A_79 = tpu.sem_alloc : memref<!tpu.dma_semaphore, #tpu.memory_space<semaphore_mem>>
      %dma_start3A_80 = arith.constant 0 : i32
      %dma_start3A_81 = tpu.memref_slice %arg4[%arg0, %mul3A_0, %dma_start3A_80] : memref<2x10240x64xf32, #tpu.memory_space<hbm>> -> memref<1x640x64xf32, #tpu.memory_space<hbm>>
      %dma_start3A_82 = tpu.memref_squeeze %dma_start3A_81 : memref<1x640x64xf32, #tpu.memory_space<hbm>> -> memref<640x64xf32, #tpu.memory_space<hbm>>
      %dma_start3A_83 = arith.constant 0 : i32
      %dma_start3A_84 = tpu.memref_slice %arg13[%mul3A_0, %dma_start3A_83] : memref<10240x64xf32, #tpu.memory_space<vmem_shared>> -> memref<640x64xf32, #tpu.memory_space<vmem_shared>>
      tpu.enqueue_dma source(%dma_start3A_84 : memref<640x64xf32, #tpu.memory_space<vmem_shared>>) target(%dma_start3A_82 : memref<640x64xf32, #tpu.memory_space<hbm>>) target_semaphore(%run_scoped3A_79 : memref<!tpu.dma_semaphore, #tpu.memory_space<semaphore_mem>>)
      %dma_wait3A = arith.constant 0 : i32
      %dma_wait3A_85 = tpu.memref_slice %arg4[%arg0, %mul3A_0, %dma_wait3A] : memref<2x10240x64xf32, #tpu.memory_space<hbm>> -> memref<1x640x64xf32, #tpu.memory_space<hbm>>
      %dma_wait3A_86 = tpu.memref_squeeze %dma_wait3A_85 : memref<1x640x64xf32, #tpu.memory_space<hbm>> -> memref<640x64xf32, #tpu.memory_space<hbm>>
      %dma_wait3A_87 = arith.constant 0 : i32
      %dma_wait3A_88 = tpu.memref_slice %arg13[%mul3A_0, %dma_wait3A_87] : memref<10240x64xf32, #tpu.memory_space<vmem_shared>> -> memref<640x64xf32, #tpu.memory_space<vmem_shared>>
      tpu.wait_dma2 semaphore(%run_scoped3A_79 : memref<!tpu.dma_semaphore, #tpu.memory_space<semaphore_mem>>) src(%dma_wait3A_88 : memref<640x64xf32, #tpu.memory_space<vmem_shared>>) dst(%dma_wait3A_86 : memref<640x64xf32, #tpu.memory_space<hbm>>)
      tpu.yield
    }) : () -> ()
    "tpu.region"() ({
      %run_scoped3A_79 = tpu.sem_alloc : memref<!tpu.dma_semaphore, #tpu.memory_space<semaphore_mem>>
      %dma_start3A_80 = tpu.memref_slice %arg5[%arg0, %mul3A_0] : memref<2x10240xf32, #tpu.memory_space<hbm>> -> memref<1x640xf32, #tpu.memory_space<hbm>>
      %dma_start3A_81 = tpu.memref_squeeze %dma_start3A_80 : memref<1x640xf32, #tpu.memory_space<hbm>> -> memref<640xf32, #tpu.memory_space<hbm>>
      %dma_start3A_82 = tpu.memref_slice %arg14[%mul3A_0] : memref<10240xf32, #tpu.memory_space<vmem_shared>> -> memref<640xf32, #tpu.memory_space<vmem_shared>>
      tpu.enqueue_dma source(%dma_start3A_82 : memref<640xf32, #tpu.memory_space<vmem_shared>>) target(%dma_start3A_81 : memref<640xf32, #tpu.memory_space<hbm>>) target_semaphore(%run_scoped3A_79 : memref<!tpu.dma_semaphore, #tpu.memory_space<semaphore_mem>>)
      %dma_wait3A = tpu.memref_slice %arg5[%arg0, %mul3A_0] : memref<2x10240xf32, #tpu.memory_space<hbm>> -> memref<1x640xf32, #tpu.memory_space<hbm>>
      %dma_wait3A_83 = tpu.memref_squeeze %dma_wait3A : memref<1x640xf32, #tpu.memory_space<hbm>> -> memref<640xf32, #tpu.memory_space<hbm>>
      %dma_wait3A_84 = tpu.memref_slice %arg14[%mul3A_0] : memref<10240xf32, #tpu.memory_space<vmem_shared>> -> memref<640xf32, #tpu.memory_space<vmem_shared>>
      tpu.wait_dma2 semaphore(%run_scoped3A_79 : memref<!tpu.dma_semaphore, #tpu.memory_space<semaphore_mem>>) src(%dma_wait3A_84 : memref<640xf32, #tpu.memory_space<vmem_shared>>) dst(%dma_wait3A_83 : memref<640xf32, #tpu.memory_space<hbm>>)
      tpu.yield
    }) : () -> ()
    return
  }
}

#map = affine_map<(d0, d1) -> (0, 0, 0, 0)>
#map1 = affine_map<(d0, d1) -> (0, 0)>
#map2 = affine_map<(d0, d1) -> (0, 0, 0)>
module attributes {stable_mosaic.version = 14 : i64} {
  func.func @body(%arg0: i32, %arg1: i32, %arg2: memref<2x32x125x80xi32, #tpu.memory_space<hbm>>, %arg3: memref<10240x64xf32, #tpu.memory_space<hbm>>, %arg4: memref<2x10240x64xf32, #tpu.memory_space<hbm>>, %arg5: memref<125x80xi32, #tpu.memory_space<vmem>>, %arg6: memref<125x80xi32, #tpu.memory_space<vmem>>, %arg7: memref<80x64xf32, #tpu.memory_space<vmem>>, %arg8: memref<80x64xf32, #tpu.memory_space<vmem>>, %arg9: memref<80x64xf32, #tpu.memory_space<vmem>>, %arg10: memref<10240x64xf32, #tpu.memory_space<vmem_shared>>, %arg11: memref<!tpu.dma_semaphore, #tpu.memory_space<semaphore_mem>>, %arg12: memref<!tpu.dma_semaphore, #tpu.memory_space<semaphore_mem>>) attributes {dimension_semantics = [#tpu.dimension_semantics<core_parallel>, #tpu.dimension_semantics<subcore_parallel>], iteration_bounds = array<i64: 2, 16>, scalar_prefetch = 0 : i64, scratch_operands = 8 : i64, tpu.core_type = #tpu.core_type<sc_vector_subcore>, window_params = [{transform_indices = #map}, {transform_indices = #map1}, {transform_indices = #map2}]} {
    %mul3A = arith.constant 16 : i32
    %mul3A_0 = arith.muli %arg0, %mul3A : i32
    %add3A = arith.addi %mul3A_0, %arg1 : i32
    %mul3A_1 = arith.constant 640 : i32
    %mul3A_2 = arith.muli %arg1, %mul3A_1 : i32
    %run_scoped3A = arith.constant 0 : i32
    "tpu.region"() ({
      %run_scoped3A_46 = tpu.sem_alloc : memref<!tpu.dma_semaphore, #tpu.memory_space<semaphore_mem>>
      %dma_start3A_47 = arith.constant 0 : i32
      %dma_start3A_48 = arith.constant 0 : i32
      %dma_start3A_49 = tpu.memref_slice %arg2[%run_scoped3A, %add3A, %dma_start3A_47, %dma_start3A_48] : memref<2x32x125x80xi32, #tpu.memory_space<hbm>> -> memref<1x1x125x80xi32, #tpu.memory_space<hbm>>
      %dma_start3A_50 = tpu.memref_squeeze %dma_start3A_49 : memref<1x1x125x80xi32, #tpu.memory_space<hbm>> -> memref<125x80xi32, #tpu.memory_space<hbm>>
      %dma_start3A_51 = arith.constant 0 : i32
      %dma_start3A_52 = arith.constant 0 : i32
      %dma_start3A_53 = tpu.memref_slice %arg2[%run_scoped3A, %add3A, %dma_start3A_51, %dma_start3A_52] : memref<2x32x125x80xi32, #tpu.memory_space<hbm>> -> memref<1x1x125x80xi32, #tpu.memory_space<hbm>>
      %dma_start3A_54 = tpu.memref_squeeze %dma_start3A_53 : memref<1x1x125x80xi32, #tpu.memory_space<hbm>> -> memref<125x80xi32, #tpu.memory_space<hbm>>
      tpu.enqueue_dma source(%dma_start3A_54 : memref<125x80xi32, #tpu.memory_space<hbm>>) target(%arg5 : memref<125x80xi32, #tpu.memory_space<vmem>>) target_semaphore(%run_scoped3A_46 : memref<!tpu.dma_semaphore, #tpu.memory_space<semaphore_mem>>)
      %dma_wait3A_55 = arith.constant 0 : i32
      %dma_wait3A_56 = arith.constant 0 : i32
      %dma_wait3A_57 = tpu.memref_slice %arg2[%run_scoped3A, %add3A, %dma_wait3A_55, %dma_wait3A_56] : memref<2x32x125x80xi32, #tpu.memory_space<hbm>> -> memref<1x1x125x80xi32, #tpu.memory_space<hbm>>
      %dma_wait3A_58 = tpu.memref_squeeze %dma_wait3A_57 : memref<1x1x125x80xi32, #tpu.memory_space<hbm>> -> memref<125x80xi32, #tpu.memory_space<hbm>>
      %dma_wait3A_59 = arith.constant 0 : i32
      %dma_wait3A_60 = arith.constant 0 : i32
      %dma_wait3A_61 = tpu.memref_slice %arg2[%run_scoped3A, %add3A, %dma_wait3A_59, %dma_wait3A_60] : memref<2x32x125x80xi32, #tpu.memory_space<hbm>> -> memref<1x1x125x80xi32, #tpu.memory_space<hbm>>
      %dma_wait3A_62 = tpu.memref_squeeze %dma_wait3A_61 : memref<1x1x125x80xi32, #tpu.memory_space<hbm>> -> memref<125x80xi32, #tpu.memory_space<hbm>>
      tpu.wait_dma2 semaphore(%run_scoped3A_46 : memref<!tpu.dma_semaphore, #tpu.memory_space<semaphore_mem>>) src(%dma_wait3A_62 : memref<125x80xi32, #tpu.memory_space<hbm>>) dst(%arg5 : memref<125x80xi32, #tpu.memory_space<vmem>>)
      tpu.yield
    }) : () -> ()
    %run_scoped3A_3 = arith.constant 1 : i32
    "tpu.region"() ({
      %run_scoped3A_46 = tpu.sem_alloc : memref<!tpu.dma_semaphore, #tpu.memory_space<semaphore_mem>>
      %dma_start3A_47 = arith.constant 0 : i32
      %dma_start3A_48 = arith.constant 0 : i32
      %dma_start3A_49 = tpu.memref_slice %arg2[%run_scoped3A_3, %add3A, %dma_start3A_47, %dma_start3A_48] : memref<2x32x125x80xi32, #tpu.memory_space<hbm>> -> memref<1x1x125x80xi32, #tpu.memory_space<hbm>>
      %dma_start3A_50 = tpu.memref_squeeze %dma_start3A_49 : memref<1x1x125x80xi32, #tpu.memory_space<hbm>> -> memref<125x80xi32, #tpu.memory_space<hbm>>
      %dma_start3A_51 = arith.constant 0 : i32
      %dma_start3A_52 = arith.constant 0 : i32
      %dma_start3A_53 = tpu.memref_slice %arg2[%run_scoped3A_3, %add3A, %dma_start3A_51, %dma_start3A_52] : memref<2x32x125x80xi32, #tpu.memory_space<hbm>> -> memref<1x1x125x80xi32, #tpu.memory_space<hbm>>
      %dma_start3A_54 = tpu.memref_squeeze %dma_start3A_53 : memref<1x1x125x80xi32, #tpu.memory_space<hbm>> -> memref<125x80xi32, #tpu.memory_space<hbm>>
      tpu.enqueue_dma source(%dma_start3A_54 : memref<125x80xi32, #tpu.memory_space<hbm>>) target(%arg6 : memref<125x80xi32, #tpu.memory_space<vmem>>) target_semaphore(%run_scoped3A_46 : memref<!tpu.dma_semaphore, #tpu.memory_space<semaphore_mem>>)
      %dma_wait3A_55 = arith.constant 0 : i32
      %dma_wait3A_56 = arith.constant 0 : i32
      %dma_wait3A_57 = tpu.memref_slice %arg2[%run_scoped3A_3, %add3A, %dma_wait3A_55, %dma_wait3A_56] : memref<2x32x125x80xi32, #tpu.memory_space<hbm>> -> memref<1x1x125x80xi32, #tpu.memory_space<hbm>>
      %dma_wait3A_58 = tpu.memref_squeeze %dma_wait3A_57 : memref<1x1x125x80xi32, #tpu.memory_space<hbm>> -> memref<125x80xi32, #tpu.memory_space<hbm>>
      %dma_wait3A_59 = arith.constant 0 : i32
      %dma_wait3A_60 = arith.constant 0 : i32
      %dma_wait3A_61 = tpu.memref_slice %arg2[%run_scoped3A_3, %add3A, %dma_wait3A_59, %dma_wait3A_60] : memref<2x32x125x80xi32, #tpu.memory_space<hbm>> -> memref<1x1x125x80xi32, #tpu.memory_space<hbm>>
      %dma_wait3A_62 = tpu.memref_squeeze %dma_wait3A_61 : memref<1x1x125x80xi32, #tpu.memory_space<hbm>> -> memref<125x80xi32, #tpu.memory_space<hbm>>
      tpu.wait_dma2 semaphore(%run_scoped3A_46 : memref<!tpu.dma_semaphore, #tpu.memory_space<semaphore_mem>>) src(%dma_wait3A_62 : memref<125x80xi32, #tpu.memory_space<hbm>>) dst(%arg6 : memref<125x80xi32, #tpu.memory_space<vmem>>)
      tpu.yield
    }) : () -> ()
    %broadcast_in_dim3A = arith.constant 0.000000e+00 : f32
    %broadcast_in_dim3A_4 = vector.broadcast %broadcast_in_dim3A : f32 to vector<16xf32>
    %scan3A = arith.constant 0 : i32
    %scan3A_5 = arith.constant 0 : i32
    %scan3A_6 = arith.constant 320 : i32
    %scan3A_7 = arith.addi %scan3A_5, %scan3A_6 : i32
    %scan3A_8 = arith.constant 1 : i32
    %scan3A_9 = scf.for %scan3A_46 = %scan3A_5 to %scan3A_7 step %scan3A_8 iter_args(%scan3A_47 = %scan3A) -> (i32)  : i32 {
      %jit3A = arith.constant 4 : i32
      %div3A = arith.divsi %scan3A_46, %jit3A : i32
      %sign3A = arith.constant 0 : i32
      %sign3A_48 = arith.cmpi sgt, %scan3A_46, %sign3A : i32
      %sign3A_49 = arith.extui %sign3A_48 : i1 to i32
      %sign3A_50 = arith.constant 0 : i32
      %sign3A_51 = arith.cmpi slt, %scan3A_46, %sign3A_50 : i32
      %sign3A_52 = arith.extui %sign3A_51 : i1 to i32
      %sign3A_53 = arith.subi %sign3A_49, %sign3A_52 : i32
      %sign3A_54 = arith.constant 0 : i32
      %sign3A_55 = arith.cmpi sgt, %jit3A, %sign3A_54 : i32
      %sign3A_56 = arith.extui %sign3A_55 : i1 to i32
      %sign3A_57 = arith.constant 0 : i32
      %sign3A_58 = arith.cmpi slt, %jit3A, %sign3A_57 : i32
      %sign3A_59 = arith.extui %sign3A_58 : i1 to i32
      %sign3A_60 = arith.subi %sign3A_56, %sign3A_59 : i32
      %ne3A = arith.cmpi ne, %sign3A_53, %sign3A_60 : i32
      %rem3A = arith.remsi %scan3A_46, %jit3A : i32
      %ne3A_61 = arith.constant 0 : i32
      %ne3A_62 = arith.cmpi ne, %rem3A, %ne3A_61 : i32
      %and3A = arith.andi %ne3A, %ne3A_62 : i1
      %sub3A = arith.constant 1 : i32
      %sub3A_63 = arith.subi %div3A, %sub3A : i32
      %select_n3A = arith.select %and3A, %sub3A_63, %div3A : i32
      %jit3A_64 = arith.constant 4 : i32
      %eq3A = arith.constant 0 : i32
      %eq3A_65 = arith.cmpi eq, %jit3A_64, %eq3A : i32
      %jit3A_66 = arith.constant 1 : i32
      %select_n3A_67 = arith.select %eq3A_65, %jit3A_66, %jit3A_64 : i32
      %rem3A_68 = arith.remsi %scan3A_46, %select_n3A_67 : i32
      %ne3A_69 = arith.constant 0 : i32
      %ne3A_70 = arith.cmpi ne, %rem3A_68, %ne3A_69 : i32
      %lt3A = arith.constant 0 : i32
      %lt3A_71 = arith.cmpi slt, %rem3A_68, %lt3A : i32
      %lt3A_72 = arith.constant 0 : i32
      %lt3A_73 = arith.cmpi slt, %select_n3A_67, %lt3A_72 : i32
      %ne3A_74 = arith.xori %lt3A_71, %lt3A_73 : i1
      %and3A_75 = arith.andi %ne3A_74, %ne3A_70 : i1
      %add3A_76 = arith.addi %rem3A_68, %select_n3A_67 : i32
      %select_n3A_77 = arith.select %and3A_75, %add3A_76, %rem3A_68 : i32
      %mul3A_78 = arith.constant 16 : i32
      %mul3A_79 = arith.muli %select_n3A_77, %mul3A_78 : i32
      %swap3A = arith.index_cast %select_n3A : i32 to index
      %swap3A_80 = arith.index_cast %mul3A_79 : i32 to index
      %swap3A_81 = tpu.vector_load %arg9[%swap3A, %swap3A_80] {strides = array<i32>} : memref<80x64xf32, #tpu.memory_space<vmem>>, vector<1x16xf32>,
      %swap3A_82 = vector.shape_cast %swap3A_81 : vector<1x16xf32> to vector<16xf32>
      %swap3A_83 = vector.shape_cast %broadcast_in_dim3A_4 : vector<16xf32> to vector<1x16xf32>
      tpu.vector_store %arg9[%swap3A, %swap3A_80], %swap3A_83 {strides = array<i32>} : memref<80x64xf32, #tpu.memory_space<vmem>>, vector<1x16xf32>,
      %scan3A_84 = arith.constant 0 : i32
      scf.yield %scan3A_84 : i32
    }
    %scan3A_10 = arith.constant 320 : i32
    %scan3A_11 = arith.constant 0 : i32
    %scan3A_12 = arith.constant 0 : i32
    %scan3A_13 = arith.constant 8 : i32
    %scan3A_14 = arith.addi %scan3A_12, %scan3A_13 : i32
    %scan3A_15 = arith.constant 1 : i32
    %scan3A_16 = scf.for %scan3A_46 = %scan3A_12 to %scan3A_14 step %scan3A_15 iter_args(%scan3A_47 = %scan3A_11) -> (i32)  : i32 {
      %mul3A_48 = arith.constant 80 : i32
      %mul3A_49 = arith.muli %scan3A_46, %mul3A_48 : i32
      %add3A_50 = arith.addi %mul3A_2, %mul3A_49 : i32
      "tpu.region"() ({
        %run_scoped3A_52 = tpu.sem_alloc : memref<!tpu.dma_semaphore, #tpu.memory_space<semaphore_mem>>
        %dma_start3A_53 = arith.constant 0 : i32
        %dma_start3A_54 = tpu.memref_slice %arg10[%add3A_50, %dma_start3A_53] : memref<10240x64xf32, #tpu.memory_space<vmem_shared>> -> memref<80x64xf32, #tpu.memory_space<vmem_shared>>
        %dma_start3A_55 = arith.constant 0 : i32
        %dma_start3A_56 = tpu.memref_slice %arg10[%add3A_50, %dma_start3A_55] : memref<10240x64xf32, #tpu.memory_space<vmem_shared>> -> memref<80x64xf32, #tpu.memory_space<vmem_shared>>
        tpu.enqueue_dma source(%arg9 : memref<80x64xf32, #tpu.memory_space<vmem>>) target(%dma_start3A_56 : memref<80x64xf32, #tpu.memory_space<vmem_shared>>) target_semaphore(%run_scoped3A_52 : memref<!tpu.dma_semaphore, #tpu.memory_space<semaphore_mem>>)
        %dma_wait3A_57 = arith.constant 0 : i32
        %dma_wait3A_58 = tpu.memref_slice %arg10[%add3A_50, %dma_wait3A_57] : memref<10240x64xf32, #tpu.memory_space<vmem_shared>> -> memref<80x64xf32, #tpu.memory_space<vmem_shared>>
        %dma_wait3A_59 = arith.constant 0 : i32
        %dma_wait3A_60 = tpu.memref_slice %arg10[%add3A_50, %dma_wait3A_59] : memref<10240x64xf32, #tpu.memory_space<vmem_shared>> -> memref<80x64xf32, #tpu.memory_space<vmem_shared>>
        tpu.wait_dma2 semaphore(%run_scoped3A_52 : memref<!tpu.dma_semaphore, #tpu.memory_space<semaphore_mem>>) src(%arg9 : memref<80x64xf32, #tpu.memory_space<vmem>>) dst(%dma_wait3A_60 : memref<80x64xf32, #tpu.memory_space<vmem_shared>>)
        tpu.yield
      }) : () -> ()
      %scan3A_51 = arith.constant 0 : i32
      scf.yield %scan3A_51 : i32
    }
    %scan3A_17 = arith.constant 8 : i32
    %barrier3A = arith.constant 0 : index
    tpu.barrier barrier_id(%barrier3A)
    %dma_start3A = arith.constant 0 : i32
    %dma_start3A_18 = arith.constant 0 : i32
    %dma_start3A_19 = tpu.memref_slice %arg5[%dma_start3A, %dma_start3A_18] : memref<125x80xi32, #tpu.memory_space<vmem>> -> memref<1x80xi32, #tpu.memory_space<vmem>>
    %dma_start3A_20 = tpu.memref_squeeze %dma_start3A_19 : memref<1x80xi32, #tpu.memory_space<vmem>> -> memref<80xi32, #tpu.memory_space<vmem>>
    %dma_start3A_21 = arith.constant 0 : i32
    %dma_start3A_22 = arith.constant 0 : i32
    %dma_start3A_23 = tpu.memref_slice %arg3[%dma_start3A_21, %dma_start3A_22] : memref<10240x64xf32, #tpu.memory_space<hbm>> -> memref<10240x64xf32, #tpu.memory_space<hbm>>
    tpu.enqueue_indirect_dma source(%dma_start3A_23 : memref<10240x64xf32, #tpu.memory_space<hbm>>) target(%arg7 : memref<80x64xf32, #tpu.memory_space<vmem>>) offsets(%dma_start3A_20 : memref<80xi32, #tpu.memory_space<vmem>>) semaphore(%arg11 : memref<!tpu.dma_semaphore, #tpu.memory_space<semaphore_mem>>)
    %dma_start3A_24 = arith.constant 1 : i32
    %dma_start3A_25 = arith.constant 0 : i32
    %dma_start3A_26 = tpu.memref_slice %arg5[%dma_start3A_24, %dma_start3A_25] : memref<125x80xi32, #tpu.memory_space<vmem>> -> memref<1x80xi32, #tpu.memory_space<vmem>>
    %dma_start3A_27 = tpu.memref_squeeze %dma_start3A_26 : memref<1x80xi32, #tpu.memory_space<vmem>> -> memref<80xi32, #tpu.memory_space<vmem>>
    %dma_start3A_28 = arith.constant 0 : i32
    %dma_start3A_29 = arith.constant 0 : i32
    %dma_start3A_30 = tpu.memref_slice %arg3[%dma_start3A_28, %dma_start3A_29] : memref<10240x64xf32, #tpu.memory_space<hbm>> -> memref<10240x64xf32, #tpu.memory_space<hbm>>
    tpu.enqueue_indirect_dma source(%dma_start3A_30 : memref<10240x64xf32, #tpu.memory_space<hbm>>) target(%arg8 : memref<80x64xf32, #tpu.memory_space<vmem>>) offsets(%dma_start3A_27 : memref<80xi32, #tpu.memory_space<vmem>>) semaphore(%arg12 : memref<!tpu.dma_semaphore, #tpu.memory_space<semaphore_mem>>)
    %scan3A_31 = arith.constant 0 : i32
    %scan3A_32 = arith.constant 0 : i32
    %scan3A_33 = arith.constant 62 : i32
    %scan3A_34 = arith.addi %scan3A_32, %scan3A_33 : i32
    %scan3A_35 = arith.constant 1 : i32
    %scan3A_36 = scf.for %scan3A_46 = %scan3A_32 to %scan3A_34 step %scan3A_35 iter_args(%scan3A_47 = %scan3A_31) -> (i32)  : i32 {
      %mul3A_48 = arith.constant 2 : i32
      %mul3A_49 = arith.muli %mul3A_48, %scan3A_46 : i32
      %dma_wait3A_50 = arith.constant 0 : i32
      %dma_wait3A_51 = arith.constant 0 : i32
      %dma_wait3A_52 = tpu.memref_slice %arg5[%dma_wait3A_50, %dma_wait3A_51] : memref<125x80xi32, #tpu.memory_space<vmem>> -> memref<1x80xi32, #tpu.memory_space<vmem>>
      %dma_wait3A_53 = tpu.memref_squeeze %dma_wait3A_52 : memref<1x80xi32, #tpu.memory_space<vmem>> -> memref<80xi32, #tpu.memory_space<vmem>>
      %dma_wait3A_54 = arith.constant 0 : i32
      %dma_wait3A_55 = arith.constant 0 : i32
      %dma_wait3A_56 = tpu.memref_slice %arg3[%dma_wait3A_54, %dma_wait3A_55] : memref<10240x64xf32, #tpu.memory_space<hbm>> -> memref<10240x64xf32, #tpu.memory_space<hbm>>
      tpu.wait_indirect_dma semaphore(%arg11 : memref<!tpu.dma_semaphore, #tpu.memory_space<semaphore_mem>>) src(%dma_wait3A_56 : memref<10240x64xf32, #tpu.memory_space<hbm>>) dst(%arg7 : memref<80x64xf32, #tpu.memory_space<vmem>>)
      "tpu.region"() ({
        %run_scoped3A_78 = tpu.sem_alloc : memref<!tpu.dma_semaphore, #tpu.memory_space<semaphore_mem>>
        %dma_start3A_79 = arith.constant 0 : i32
        %dma_start3A_80 = tpu.memref_slice %arg6[%mul3A_49, %dma_start3A_79] : memref<125x80xi32, #tpu.memory_space<vmem>> -> memref<1x80xi32, #tpu.memory_space<vmem>>
        %dma_start3A_81 = tpu.memref_squeeze %dma_start3A_80 : memref<1x80xi32, #tpu.memory_space<vmem>> -> memref<80xi32, #tpu.memory_space<vmem>>
        %dma_start3A_82 = arith.constant 0 : i32
        %dma_start3A_83 = arith.constant 0 : i32
        %dma_start3A_84 = tpu.memref_slice %arg10[%dma_start3A_82, %dma_start3A_83] : memref<10240x64xf32, #tpu.memory_space<vmem_shared>> -> memref<10240x64xf32, #tpu.memory_space<vmem_shared>>
        tpu.enqueue_indirect_dma source(%arg7 : memref<80x64xf32, #tpu.memory_space<vmem>>) target(%dma_start3A_84 : memref<10240x64xf32, #tpu.memory_space<vmem_shared>>) offsets(%dma_start3A_81 : memref<80xi32, #tpu.memory_space<vmem>>) semaphore(%run_scoped3A_78 : memref<!tpu.dma_semaphore, #tpu.memory_space<semaphore_mem>>) {add = true}
        %dma_wait3A_85 = arith.constant 0 : i32
        %dma_wait3A_86 = tpu.memref_slice %arg6[%mul3A_49, %dma_wait3A_85] : memref<125x80xi32, #tpu.memory_space<vmem>> -> memref<1x80xi32, #tpu.memory_space<vmem>>
        %dma_wait3A_87 = tpu.memref_squeeze %dma_wait3A_86 : memref<1x80xi32, #tpu.memory_space<vmem>> -> memref<80xi32, #tpu.memory_space<vmem>>
        %dma_wait3A_88 = arith.constant 0 : i32
        %dma_wait3A_89 = arith.constant 0 : i32
        %dma_wait3A_90 = tpu.memref_slice %arg10[%dma_wait3A_88, %dma_wait3A_89] : memref<10240x64xf32, #tpu.memory_space<vmem_shared>> -> memref<10240x64xf32, #tpu.memory_space<vmem_shared>>
        tpu.wait_indirect_dma semaphore(%run_scoped3A_78 : memref<!tpu.dma_semaphore, #tpu.memory_space<semaphore_mem>>) src(%arg7 : memref<80x64xf32, #tpu.memory_space<vmem>>) dst(%dma_wait3A_90 : memref<10240x64xf32, #tpu.memory_space<vmem_shared>>)
        tpu.yield
      }) : () -> ()
      %add3A_57 = arith.constant 2 : i32
      %add3A_58 = arith.addi %mul3A_49, %add3A_57 : i32
      %lt3A = arith.constant 125 : i32
      %lt3A_59 = arith.cmpi slt, %add3A_58, %lt3A : i32
      %convert_element_type3A = arith.extui %lt3A_59 : i1 to i32
      %cond3A = arith.constant 0 : i32
      %cond3A_60 = arith.cmpi ne, %convert_element_type3A, %cond3A : i32
      scf.if %cond3A_60 {
        %add3A_78 = arith.constant 2 : i32
        %add3A_79 = arith.addi %mul3A_49, %add3A_78 : i32
        %dma_start3A_80 = arith.constant 0 : i32
        %dma_start3A_81 = tpu.memref_slice %arg5[%add3A_79, %dma_start3A_80] : memref<125x80xi32, #tpu.memory_space<vmem>> -> memref<1x80xi32, #tpu.memory_space<vmem>>
        %dma_start3A_82 = tpu.memref_squeeze %dma_start3A_81 : memref<1x80xi32, #tpu.memory_space<vmem>> -> memref<80xi32, #tpu.memory_space<vmem>>
        %dma_start3A_83 = arith.constant 0 : i32
        %dma_start3A_84 = arith.constant 0 : i32
        %dma_start3A_85 = tpu.memref_slice %arg3[%dma_start3A_83, %dma_start3A_84] : memref<10240x64xf32, #tpu.memory_space<hbm>> -> memref<10240x64xf32, #tpu.memory_space<hbm>>
        tpu.enqueue_indirect_dma source(%dma_start3A_85 : memref<10240x64xf32, #tpu.memory_space<hbm>>) target(%arg7 : memref<80x64xf32, #tpu.memory_space<vmem>>) offsets(%dma_start3A_82 : memref<80xi32, #tpu.memory_space<vmem>>) semaphore(%arg11 : memref<!tpu.dma_semaphore, #tpu.memory_space<semaphore_mem>>)
      } else {
      }
      %dma_wait3A_61 = arith.constant 0 : i32
      %dma_wait3A_62 = arith.constant 0 : i32
      %dma_wait3A_63 = tpu.memref_slice %arg5[%dma_wait3A_61, %dma_wait3A_62] : memref<125x80xi32, #tpu.memory_space<vmem>> -> memref<1x80xi32, #tpu.memory_space<vmem>>
      %dma_wait3A_64 = tpu.memref_squeeze %dma_wait3A_63 : memref<1x80xi32, #tpu.memory_space<vmem>> -> memref<80xi32, #tpu.memory_space<vmem>>
      %dma_wait3A_65 = arith.constant 0 : i32
      %dma_wait3A_66 = arith.constant 0 : i32
      %dma_wait3A_67 = tpu.memref_slice %arg3[%dma_wait3A_65, %dma_wait3A_66] : memref<10240x64xf32, #tpu.memory_space<hbm>> -> memref<10240x64xf32, #tpu.memory_space<hbm>>
      tpu.wait_indirect_dma semaphore(%arg12 : memref<!tpu.dma_semaphore, #tpu.memory_space<semaphore_mem>>) src(%dma_wait3A_67 : memref<10240x64xf32, #tpu.memory_space<hbm>>) dst(%arg8 : memref<80x64xf32, #tpu.memory_space<vmem>>)
      %add3A_68 = arith.constant 1 : i32
      %add3A_69 = arith.addi %mul3A_49, %add3A_68 : i32
      "tpu.region"() ({
        %run_scoped3A_78 = tpu.sem_alloc : memref<!tpu.dma_semaphore, #tpu.memory_space<semaphore_mem>>
        %dma_start3A_79 = arith.constant 0 : i32
        %dma_start3A_80 = tpu.memref_slice %arg6[%add3A_69, %dma_start3A_79] : memref<125x80xi32, #tpu.memory_space<vmem>> -> memref<1x80xi32, #tpu.memory_space<vmem>>
        %dma_start3A_81 = tpu.memref_squeeze %dma_start3A_80 : memref<1x80xi32, #tpu.memory_space<vmem>> -> memref<80xi32, #tpu.memory_space<vmem>>
        %dma_start3A_82 = arith.constant 0 : i32
        %dma_start3A_83 = arith.constant 0 : i32
        %dma_start3A_84 = tpu.memref_slice %arg10[%dma_start3A_82, %dma_start3A_83] : memref<10240x64xf32, #tpu.memory_space<vmem_shared>> -> memref<10240x64xf32, #tpu.memory_space<vmem_shared>>
        tpu.enqueue_indirect_dma source(%arg8 : memref<80x64xf32, #tpu.memory_space<vmem>>) target(%dma_start3A_84 : memref<10240x64xf32, #tpu.memory_space<vmem_shared>>) offsets(%dma_start3A_81 : memref<80xi32, #tpu.memory_space<vmem>>) semaphore(%run_scoped3A_78 : memref<!tpu.dma_semaphore, #tpu.memory_space<semaphore_mem>>) {add = true}
        %dma_wait3A_85 = arith.constant 0 : i32
        %dma_wait3A_86 = tpu.memref_slice %arg6[%add3A_69, %dma_wait3A_85] : memref<125x80xi32, #tpu.memory_space<vmem>> -> memref<1x80xi32, #tpu.memory_space<vmem>>
        %dma_wait3A_87 = tpu.memref_squeeze %dma_wait3A_86 : memref<1x80xi32, #tpu.memory_space<vmem>> -> memref<80xi32, #tpu.memory_space<vmem>>
        %dma_wait3A_88 = arith.constant 0 : i32
        %dma_wait3A_89 = arith.constant 0 : i32
        %dma_wait3A_90 = tpu.memref_slice %arg10[%dma_wait3A_88, %dma_wait3A_89] : memref<10240x64xf32, #tpu.memory_space<vmem_shared>> -> memref<10240x64xf32, #tpu.memory_space<vmem_shared>>
        tpu.wait_indirect_dma semaphore(%run_scoped3A_78 : memref<!tpu.dma_semaphore, #tpu.memory_space<semaphore_mem>>) src(%arg8 : memref<80x64xf32, #tpu.memory_space<vmem>>) dst(%dma_wait3A_90 : memref<10240x64xf32, #tpu.memory_space<vmem_shared>>)
        tpu.yield
      }) : () -> ()
      %add3A_70 = arith.constant 3 : i32
      %add3A_71 = arith.addi %mul3A_49, %add3A_70 : i32
      %lt3A_72 = arith.constant 125 : i32
      %lt3A_73 = arith.cmpi slt, %add3A_71, %lt3A_72 : i32
      %convert_element_type3A_74 = arith.extui %lt3A_73 : i1 to i32
      %cond3A_75 = arith.constant 0 : i32
      %cond3A_76 = arith.cmpi ne, %convert_element_type3A_74, %cond3A_75 : i32
      scf.if %cond3A_76 {
        %add3A_78 = arith.constant 3 : i32
        %add3A_79 = arith.addi %mul3A_49, %add3A_78 : i32
        %dma_start3A_80 = arith.constant 0 : i32
        %dma_start3A_81 = tpu.memref_slice %arg5[%add3A_79, %dma_start3A_80] : memref<125x80xi32, #tpu.memory_space<vmem>> -> memref<1x80xi32, #tpu.memory_space<vmem>>
        %dma_start3A_82 = tpu.memref_squeeze %dma_start3A_81 : memref<1x80xi32, #tpu.memory_space<vmem>> -> memref<80xi32, #tpu.memory_space<vmem>>
        %dma_start3A_83 = arith.constant 0 : i32
        %dma_start3A_84 = arith.constant 0 : i32
        %dma_start3A_85 = tpu.memref_slice %arg3[%dma_start3A_83, %dma_start3A_84] : memref<10240x64xf32, #tpu.memory_space<hbm>> -> memref<10240x64xf32, #tpu.memory_space<hbm>>
        tpu.enqueue_indirect_dma source(%dma_start3A_85 : memref<10240x64xf32, #tpu.memory_space<hbm>>) target(%arg8 : memref<80x64xf32, #tpu.memory_space<vmem>>) offsets(%dma_start3A_82 : memref<80xi32, #tpu.memory_space<vmem>>) semaphore(%arg12 : memref<!tpu.dma_semaphore, #tpu.memory_space<semaphore_mem>>)
      } else {
      }
      %scan3A_77 = arith.constant 0 : i32
      scf.yield %scan3A_77 : i32
    }
    %scan3A_37 = arith.constant 62 : i32
    %dma_wait3A = arith.constant 0 : i32
    %dma_wait3A_38 = arith.constant 0 : i32
    %dma_wait3A_39 = tpu.memref_slice %arg5[%dma_wait3A, %dma_wait3A_38] : memref<125x80xi32, #tpu.memory_space<vmem>> -> memref<1x80xi32, #tpu.memory_space<vmem>>
    %dma_wait3A_40 = tpu.memref_squeeze %dma_wait3A_39 : memref<1x80xi32, #tpu.memory_space<vmem>> -> memref<80xi32, #tpu.memory_space<vmem>>
    %dma_wait3A_41 = arith.constant 0 : i32
    %dma_wait3A_42 = arith.constant 0 : i32
    %dma_wait3A_43 = tpu.memref_slice %arg3[%dma_wait3A_41, %dma_wait3A_42] : memref<10240x64xf32, #tpu.memory_space<hbm>> -> memref<10240x64xf32, #tpu.memory_space<hbm>>
    tpu.wait_indirect_dma semaphore(%arg11 : memref<!tpu.dma_semaphore, #tpu.memory_space<semaphore_mem>>) src(%dma_wait3A_43 : memref<10240x64xf32, #tpu.memory_space<hbm>>) dst(%arg7 : memref<80x64xf32, #tpu.memory_space<vmem>>)
    %run_scoped3A_44 = arith.constant 124 : i32
    "tpu.region"() ({
      %run_scoped3A_46 = tpu.sem_alloc : memref<!tpu.dma_semaphore, #tpu.memory_space<semaphore_mem>>
      %dma_start3A_47 = arith.constant 0 : i32
      %dma_start3A_48 = tpu.memref_slice %arg6[%run_scoped3A_44, %dma_start3A_47] : memref<125x80xi32, #tpu.memory_space<vmem>> -> memref<1x80xi32, #tpu.memory_space<vmem>>
      %dma_start3A_49 = tpu.memref_squeeze %dma_start3A_48 : memref<1x80xi32, #tpu.memory_space<vmem>> -> memref<80xi32, #tpu.memory_space<vmem>>
      %dma_start3A_50 = arith.constant 0 : i32
      %dma_start3A_51 = arith.constant 0 : i32
      %dma_start3A_52 = tpu.memref_slice %arg10[%dma_start3A_50, %dma_start3A_51] : memref<10240x64xf32, #tpu.memory_space<vmem_shared>> -> memref<10240x64xf32, #tpu.memory_space<vmem_shared>>
      tpu.enqueue_indirect_dma source(%arg7 : memref<80x64xf32, #tpu.memory_space<vmem>>) target(%dma_start3A_52 : memref<10240x64xf32, #tpu.memory_space<vmem_shared>>) offsets(%dma_start3A_49 : memref<80xi32, #tpu.memory_space<vmem>>) semaphore(%run_scoped3A_46 : memref<!tpu.dma_semaphore, #tpu.memory_space<semaphore_mem>>) {add = true}
      %dma_wait3A_53 = arith.constant 0 : i32
      %dma_wait3A_54 = tpu.memref_slice %arg6[%run_scoped3A_44, %dma_wait3A_53] : memref<125x80xi32, #tpu.memory_space<vmem>> -> memref<1x80xi32, #tpu.memory_space<vmem>>
      %dma_wait3A_55 = tpu.memref_squeeze %dma_wait3A_54 : memref<1x80xi32, #tpu.memory_space<vmem>> -> memref<80xi32, #tpu.memory_space<vmem>>
      %dma_wait3A_56 = arith.constant 0 : i32
      %dma_wait3A_57 = arith.constant 0 : i32
      %dma_wait3A_58 = tpu.memref_slice %arg10[%dma_wait3A_56, %dma_wait3A_57] : memref<10240x64xf32, #tpu.memory_space<vmem_shared>> -> memref<10240x64xf32, #tpu.memory_space<vmem_shared>>
      tpu.wait_indirect_dma semaphore(%run_scoped3A_46 : memref<!tpu.dma_semaphore, #tpu.memory_space<semaphore_mem>>) src(%arg7 : memref<80x64xf32, #tpu.memory_space<vmem>>) dst(%dma_wait3A_58 : memref<10240x64xf32, #tpu.memory_space<vmem_shared>>)
      tpu.yield
    }) : () -> ()
    %barrier3A_45 = arith.constant 0 : index
    tpu.barrier barrier_id(%barrier3A_45)
    "tpu.region"() ({
      %run_scoped3A_46 = tpu.sem_alloc : memref<!tpu.dma_semaphore, #tpu.memory_space<semaphore_mem>>
      %dma_start3A_47 = arith.constant 0 : i32
      %dma_start3A_48 = tpu.memref_slice %arg4[%arg0, %mul3A_2, %dma_start3A_47] : memref<2x10240x64xf32, #tpu.memory_space<hbm>> -> memref<1x640x64xf32, #tpu.memory_space<hbm>>
      %dma_start3A_49 = tpu.memref_squeeze %dma_start3A_48 : memref<1x640x64xf32, #tpu.memory_space<hbm>> -> memref<640x64xf32, #tpu.memory_space<hbm>>
      %dma_start3A_50 = arith.constant 0 : i32
      %dma_start3A_51 = tpu.memref_slice %arg10[%mul3A_2, %dma_start3A_50] : memref<10240x64xf32, #tpu.memory_space<vmem_shared>> -> memref<640x64xf32, #tpu.memory_space<vmem_shared>>
      tpu.enqueue_dma source(%dma_start3A_51 : memref<640x64xf32, #tpu.memory_space<vmem_shared>>) target(%dma_start3A_49 : memref<640x64xf32, #tpu.memory_space<hbm>>) target_semaphore(%run_scoped3A_46 : memref<!tpu.dma_semaphore, #tpu.memory_space<semaphore_mem>>)
      %dma_wait3A_52 = arith.constant 0 : i32
      %dma_wait3A_53 = tpu.memref_slice %arg4[%arg0, %mul3A_2, %dma_wait3A_52] : memref<2x10240x64xf32, #tpu.memory_space<hbm>> -> memref<1x640x64xf32, #tpu.memory_space<hbm>>
      %dma_wait3A_54 = tpu.memref_squeeze %dma_wait3A_53 : memref<1x640x64xf32, #tpu.memory_space<hbm>> -> memref<640x64xf32, #tpu.memory_space<hbm>>
      %dma_wait3A_55 = arith.constant 0 : i32
      %dma_wait3A_56 = tpu.memref_slice %arg10[%mul3A_2, %dma_wait3A_55] : memref<10240x64xf32, #tpu.memory_space<vmem_shared>> -> memref<640x64xf32, #tpu.memory_space<vmem_shared>>
      tpu.wait_dma2 semaphore(%run_scoped3A_46 : memref<!tpu.dma_semaphore, #tpu.memory_space<semaphore_mem>>) src(%dma_wait3A_56 : memref<640x64xf32, #tpu.memory_space<vmem_shared>>) dst(%dma_wait3A_54 : memref<640x64xf32, #tpu.memory_space<hbm>>)
      tpu.yield
    }) : () -> ()
    return
  }
}

module attributes {stable_mosaic.version = 14 : i64} {
  func.func @body(%arg0: i32, %arg1: memref<2x2560x128xf32, #tpu.memory_space<vmem>>, %arg2: memref<2560x256xf32, #tpu.memory_space<vmem>>, %arg3: memref<2560x1xf32, #tpu.memory_space<vmem>>, %arg4: memref<2560x1xf32, #tpu.memory_space<vmem>>, %arg5: memref<128x64xf32, #tpu.memory_space<vmem>>, %arg6: memref<128x64xf32, #tpu.memory_space<vmem>>, %arg7: memref<64x128xf32, #tpu.memory_space<vmem>>, %arg8: memref<2560x128xf32, #tpu.memory_space<vmem>>) attributes {dimension_semantics = [#tpu.dimension_semantics<arbitrary>], iteration_bounds = array<i64: 2>, scalar_prefetch = 0 : i64, scratch_operands = 0 : i64, tpu.core_type = #tpu.core_type<tc>, window_params = [{transform_indices = @transform_0, window_bounds = array<i64: 2, 2560, 128>}, {transform_indices = @transform_1, window_bounds = array<i64: 2560, 256>}, {transform_indices = @transform_2, window_bounds = array<i64: 2560, 1>}, {transform_indices = @transform_3, window_bounds = array<i64: 2560, 1>}, {pipeline_mode = #tpu.pipeline_mode<synchronous>, transform_indices = @transform_4, window_bounds = array<i64: 128, 64>}, {pipeline_mode = #tpu.pipeline_mode<synchronous>, transform_indices = @transform_5, window_bounds = array<i64: 128, 64>}, {pipeline_mode = #tpu.pipeline_mode<synchronous>, transform_indices = @transform_6, window_bounds = array<i64: 64, 128>}, {transform_indices = @transform_7, window_bounds = array<i64: 2560, 128>}]} {
    %get3A = arith.constant 0 : index
    %get3A_0 = arith.constant 0 : index
    %get3A_1 = vector.load %arg3[%get3A, %get3A_0] : memref<2560x1xf32, #tpu.memory_space<vmem>>, vector<2560x1xf32>
    %add3A = arith.constant 1.000000e+00 : f32
    %add3A_2 = vector.broadcast %add3A : f32 to vector<2560x1xf32>
    %add3A_3 = arith.addf %get3A_1, %add3A_2 : vector<2560x1xf32>
    %div3A = arith.constant 1.000000e+00 : f32
    %div3A_4 = vector.broadcast %div3A : f32 to vector<2560x1xf32>
    %div3A_5 = arith.divf %div3A_4, %add3A_3 : vector<2560x1xf32>
    %get3A_6 = arith.constant 0 : index
    %get3A_7 = arith.constant 0 : index
    %get3A_8 = vector.load %arg4[%get3A_6, %get3A_7] : memref<2560x1xf32, #tpu.memory_space<vmem>>, vector<2560x1xf32>
    %add3A_9 = arith.constant 1.000000e+00 : f32
    %add3A_10 = vector.broadcast %add3A_9 : f32 to vector<2560x1xf32>
    %add3A_11 = arith.addf %get3A_8, %add3A_10 : vector<2560x1xf32>
    %div3A_12 = arith.constant 1.000000e+00 : f32
    %div3A_13 = vector.broadcast %div3A_12 : f32 to vector<2560x1xf32>
    %div3A_14 = arith.divf %div3A_13, %add3A_11 : vector<2560x1xf32>
    %get3A_15 = arith.constant 0 : index
    %get3A_16 = arith.constant 0 : index
    %get3A_17 = arith.constant 0 : index
    %get3A_18 = vector.load %arg1[%get3A_15, %get3A_16, %get3A_17] : memref<2x2560x128xf32, #tpu.memory_space<vmem>>, vector<1x2560x128xf32>
    %get3A_19 = vector.shape_cast %get3A_18 : vector<1x2560x128xf32> to vector<2560x128xf32>
    %slice3A = vector.extract_strided_slice %get3A_19 {offsets = [0, 0], sizes = [2560, 64], strides = [1, 1]} : vector<2560x128xf32> to vector<2560x64xf32>
    %get3A_20 = arith.constant 0 : index
    %get3A_21 = arith.constant 0 : index
    %get3A_22 = vector.load %arg2[%get3A_20, %get3A_21] : memref<2560x256xf32, #tpu.memory_space<vmem>>, vector<2560x64xf32>
    %add3A_23 = arith.addf %slice3A, %get3A_22 : vector<2560x64xf32>
    %get3A_24 = arith.constant 1 : index
    %get3A_25 = arith.constant 0 : index
    %get3A_26 = arith.constant 0 : index
    %get3A_27 = vector.load %arg1[%get3A_24, %get3A_25, %get3A_26] : memref<2x2560x128xf32, #tpu.memory_space<vmem>>, vector<1x2560x128xf32>
    %get3A_28 = vector.shape_cast %get3A_27 : vector<1x2560x128xf32> to vector<2560x128xf32>
    %slice3A_29 = vector.extract_strided_slice %get3A_28 {offsets = [0, 0], sizes = [2560, 64], strides = [1, 1]} : vector<2560x128xf32> to vector<2560x64xf32>
    %get3A_30 = arith.constant 0 : index
    %get3A_31 = arith.constant 64 : index
    %get3A_32 = vector.load %arg2[%get3A_30, %get3A_31] : memref<2560x256xf32, #tpu.memory_space<vmem>>, vector<2560x64xf32>
    %add3A_33 = arith.addf %slice3A_29, %get3A_32 : vector<2560x64xf32>
    %get3A_34 = arith.constant 0 : index
    %get3A_35 = arith.constant 0 : index
    %get3A_36 = vector.load %arg5[%get3A_34, %get3A_35] : memref<128x64xf32, #tpu.memory_space<vmem>>, vector<128x64xf32>
    %dot_general3A = arith.constant dense<0.000000e+00> : vector<2560x128xf32>
    %dot_general3A_37 = tpu.matmul %add3A_23, %get3A_36, %dot_general3A {dimension_numbers = #tpu.dot_dimension_numbers<[1], [1], [0], [0], [0, 0, 1, 0], [], []>, transpose_lhs_hint = false} : vector<2560x64xf32>, vector<128x64xf32>, vector<2560x128xf32> -> vector<2560x128xf32>
    %get3A_38 = arith.constant 0 : index
    %get3A_39 = arith.constant 0 : index
    %get3A_40 = vector.load %arg6[%get3A_38, %get3A_39] : memref<128x64xf32, #tpu.memory_space<vmem>>, vector<128x64xf32>
    %dot_general3A_41 = arith.constant dense<0.000000e+00> : vector<2560x128xf32>
    %dot_general3A_42 = tpu.matmul %add3A_33, %get3A_40, %dot_general3A_41 {dimension_numbers = #tpu.dot_dimension_numbers<[1], [1], [0], [0], [0, 0, 1, 0], [], []>, transpose_lhs_hint = false} : vector<2560x64xf32>, vector<128x64xf32>, vector<2560x128xf32> -> vector<2560x128xf32>
    %add3A_43 = arith.addf %dot_general3A_37, %dot_general3A_42 : vector<2560x128xf32>
    %mul3A = vector.broadcast %div3A_5 : vector<2560x1xf32> to vector<2560x128xf32>
    %mul3A_44 = arith.mulf %mul3A, %add3A_43 : vector<2560x128xf32>
    %max3A = arith.constant 0.000000e+00 : f32
    %max3A_45 = vector.broadcast %max3A : f32 to vector<2560x128xf32>
    %max3A_46 = arith.maximumf %mul3A_44, %max3A_45 : vector<2560x128xf32>
    %get3A_47 = arith.constant 0 : index
    %get3A_48 = arith.constant 0 : index
    %get3A_49 = vector.load %arg7[%get3A_47, %get3A_48] : memref<64x128xf32, #tpu.memory_space<vmem>>, vector<64x128xf32>
    %dot_general3A_50 = arith.constant dense<0.000000e+00> : vector<2560x64xf32>
    %dot_general3A_51 = tpu.matmul %max3A_46, %get3A_49, %dot_general3A_50 {dimension_numbers = #tpu.dot_dimension_numbers<[1], [1], [0], [0], [0, 0, 1, 0], [], []>, transpose_lhs_hint = false} : vector<2560x128xf32>, vector<64x128xf32>, vector<2560x64xf32> -> vector<2560x64xf32>
    %swap3A = arith.constant 0 : index
    %swap3A_52 = arith.constant 0 : index
    %swap3A_53 = vector.load %arg8[%swap3A, %swap3A_52] : memref<2560x128xf32, #tpu.memory_space<vmem>>, vector<2560x64xf32>
    tpu.vector_store %arg8[%swap3A, %swap3A_52], %dot_general3A_51 {strides = array<i32>} : memref<2560x128xf32, #tpu.memory_space<vmem>>, vector<2560x64xf32>,
    %get3A_54 = arith.constant 0 : index
    %get3A_55 = arith.constant 0 : index
    %get3A_56 = arith.constant 0 : index
    %get3A_57 = vector.load %arg1[%get3A_54, %get3A_55, %get3A_56] : memref<2x2560x128xf32, #tpu.memory_space<vmem>>, vector<1x2560x128xf32>
    %get3A_58 = vector.shape_cast %get3A_57 : vector<1x2560x128xf32> to vector<2560x128xf32>
    %slice3A_59 = vector.extract_strided_slice %get3A_58 {offsets = [0, 64], sizes = [2560, 64], strides = [1, 1]} : vector<2560x128xf32> to vector<2560x64xf32>
    %get3A_60 = arith.constant 0 : index
    %get3A_61 = arith.constant 128 : index
    %get3A_62 = vector.load %arg2[%get3A_60, %get3A_61] : memref<2560x256xf32, #tpu.memory_space<vmem>>, vector<2560x64xf32>
    %add3A_63 = arith.addf %slice3A_59, %get3A_62 : vector<2560x64xf32>
    %get3A_64 = arith.constant 1 : index
    %get3A_65 = arith.constant 0 : index
    %get3A_66 = arith.constant 0 : index
    %get3A_67 = vector.load %arg1[%get3A_64, %get3A_65, %get3A_66] : memref<2x2560x128xf32, #tpu.memory_space<vmem>>, vector<1x2560x128xf32>
    %get3A_68 = vector.shape_cast %get3A_67 : vector<1x2560x128xf32> to vector<2560x128xf32>
    %slice3A_69 = vector.extract_strided_slice %get3A_68 {offsets = [0, 64], sizes = [2560, 64], strides = [1, 1]} : vector<2560x128xf32> to vector<2560x64xf32>
    %get3A_70 = arith.constant 0 : index
    %get3A_71 = arith.constant 192 : index
    %get3A_72 = vector.load %arg2[%get3A_70, %get3A_71] : memref<2560x256xf32, #tpu.memory_space<vmem>>, vector<2560x64xf32>
    %add3A_73 = arith.addf %slice3A_69, %get3A_72 : vector<2560x64xf32>
    %get3A_74 = arith.constant 0 : index
    %get3A_75 = arith.constant 0 : index
    %get3A_76 = vector.load %arg5[%get3A_74, %get3A_75] : memref<128x64xf32, #tpu.memory_space<vmem>>, vector<128x64xf32>
    %dot_general3A_77 = arith.constant dense<0.000000e+00> : vector<2560x128xf32>
    %dot_general3A_78 = tpu.matmul %add3A_63, %get3A_76, %dot_general3A_77 {dimension_numbers = #tpu.dot_dimension_numbers<[1], [1], [0], [0], [0, 0, 1, 0], [], []>, transpose_lhs_hint = false} : vector<2560x64xf32>, vector<128x64xf32>, vector<2560x128xf32> -> vector<2560x128xf32>
    %get3A_79 = arith.constant 0 : index
    %get3A_80 = arith.constant 0 : index
    %get3A_81 = vector.load %arg6[%get3A_79, %get3A_80] : memref<128x64xf32, #tpu.memory_space<vmem>>, vector<128x64xf32>
    %dot_general3A_82 = arith.constant dense<0.000000e+00> : vector<2560x128xf32>
    %dot_general3A_83 = tpu.matmul %add3A_73, %get3A_81, %dot_general3A_82 {dimension_numbers = #tpu.dot_dimension_numbers<[1], [1], [0], [0], [0, 0, 1, 0], [], []>, transpose_lhs_hint = false} : vector<2560x64xf32>, vector<128x64xf32>, vector<2560x128xf32> -> vector<2560x128xf32>
    %add3A_84 = arith.addf %dot_general3A_78, %dot_general3A_83 : vector<2560x128xf32>
    %mul3A_85 = vector.broadcast %div3A_14 : vector<2560x1xf32> to vector<2560x128xf32>
    %mul3A_86 = arith.mulf %mul3A_85, %add3A_84 : vector<2560x128xf32>
    %max3A_87 = arith.constant 0.000000e+00 : f32
    %max3A_88 = vector.broadcast %max3A_87 : f32 to vector<2560x128xf32>
    %max3A_89 = arith.maximumf %mul3A_86, %max3A_88 : vector<2560x128xf32>
    %get3A_90 = arith.constant 0 : index
    %get3A_91 = arith.constant 0 : index
    %get3A_92 = vector.load %arg7[%get3A_90, %get3A_91] : memref<64x128xf32, #tpu.memory_space<vmem>>, vector<64x128xf32>
    %dot_general3A_93 = arith.constant dense<0.000000e+00> : vector<2560x64xf32>
    %dot_general3A_94 = tpu.matmul %max3A_89, %get3A_92, %dot_general3A_93 {dimension_numbers = #tpu.dot_dimension_numbers<[1], [1], [0], [0], [0, 0, 1, 0], [], []>, transpose_lhs_hint = false} : vector<2560x128xf32>, vector<64x128xf32>, vector<2560x64xf32> -> vector<2560x64xf32>
    %swap3A_95 = arith.constant 0 : index
    %swap3A_96 = arith.constant 64 : index
    %swap3A_97 = vector.load %arg8[%swap3A_95, %swap3A_96] : memref<2560x128xf32, #tpu.memory_space<vmem>>, vector<2560x64xf32>
    tpu.vector_store %arg8[%swap3A_95, %swap3A_96], %dot_general3A_94 {strides = array<i32>} : memref<2560x128xf32, #tpu.memory_space<vmem>>, vector<2560x64xf32>,
    return
  }
  func.func @transform_0(%arg0: i32) -> (i32, i32, i32) {
    %c0_i32 = arith.constant 0 : i32
    %c0_i32_0 = arith.constant 0 : i32
    %c0_i32_1 = arith.constant 0 : i32
    return %c0_i32, %arg0, %c0_i32_0 : i32, i32, i32
  }
  func.func @transform_1(%arg0: i32) -> (i32, i32) {
    %c0_i32 = arith.constant 0 : i32
    %c0_i32_0 = arith.constant 0 : i32
    return %arg0, %c0_i32 : i32, i32
  }
  func.func @transform_2(%arg0: i32) -> (i32, i32) {
    %c0_i32 = arith.constant 0 : i32
    %c0_i32_0 = arith.constant 0 : i32
    return %arg0, %c0_i32 : i32, i32
  }
  func.func @transform_3(%arg0: i32) -> (i32, i32) {
    %c0_i32 = arith.constant 0 : i32
    %c0_i32_0 = arith.constant 0 : i32
    return %arg0, %c0_i32 : i32, i32
  }
  func.func @transform_4(%arg0: i32) -> (i32, i32) {
    %c0_i32 = arith.constant 0 : i32
    %c0_i32_0 = arith.constant 0 : i32
    %c0_i32_1 = arith.constant 0 : i32
    return %c0_i32, %c0_i32_0 : i32, i32
  }
  func.func @transform_5(%arg0: i32) -> (i32, i32) {
    %c0_i32 = arith.constant 0 : i32
    %c0_i32_0 = arith.constant 0 : i32
    %c0_i32_1 = arith.constant 0 : i32
    return %c0_i32, %c0_i32_0 : i32, i32
  }
  func.func @transform_6(%arg0: i32) -> (i32, i32) {
    %c0_i32 = arith.constant 0 : i32
    %c0_i32_0 = arith.constant 0 : i32
    %c0_i32_1 = arith.constant 0 : i32
    return %c0_i32, %c0_i32_0 : i32, i32
  }
  func.func @transform_7(%arg0: i32) -> (i32, i32) {
    %c0_i32 = arith.constant 0 : i32
    %c0_i32_0 = arith.constant 0 : i32
    return %arg0, %c0_i32 : i32, i32
  }
}

module attributes {stable_mosaic.version = 14 : i64} {
  func.func @body(%arg0: i32, %arg1: memref<2x2560x128xf32, #tpu.memory_space<vmem>>, %arg2: memref<2560x128xf32, #tpu.memory_space<vmem>>, %arg3: memref<2560x1xf32, #tpu.memory_space<vmem>>, %arg4: memref<2560x1xf32, #tpu.memory_space<vmem>>, %arg5: memref<2560x128xf32, #tpu.memory_space<vmem>>) attributes {dimension_semantics = [#tpu.dimension_semantics<arbitrary>], iteration_bounds = array<i64: 2>, scalar_prefetch = 0 : i64, scratch_operands = 0 : i64, tpu.core_type = #tpu.core_type<tc>, window_params = [{transform_indices = @transform_0, window_bounds = array<i64: 2, 2560, 128>}, {transform_indices = @transform_1, window_bounds = array<i64: 2560, 128>}, {transform_indices = @transform_2, window_bounds = array<i64: 2560, 1>}, {transform_indices = @transform_3, window_bounds = array<i64: 2560, 1>}, {transform_indices = @transform_4, window_bounds = array<i64: 2560, 128>}]} {
    %get3A = arith.constant 0 : index
    %get3A_0 = arith.constant 0 : index
    %get3A_1 = vector.load %arg3[%get3A, %get3A_0] : memref<2560x1xf32, #tpu.memory_space<vmem>>, vector<2560x1xf32>
    %add3A = arith.constant 1.000000e+00 : f32
    %add3A_2 = vector.broadcast %add3A : f32 to vector<2560x1xf32>
    %add3A_3 = arith.addf %get3A_1, %add3A_2 : vector<2560x1xf32>
    %div3A = arith.constant 1.000000e+00 : f32
    %div3A_4 = vector.broadcast %div3A : f32 to vector<2560x1xf32>
    %div3A_5 = arith.divf %div3A_4, %add3A_3 : vector<2560x1xf32>
    %get3A_6 = arith.constant 0 : index
    %get3A_7 = arith.constant 0 : index
    %get3A_8 = vector.load %arg4[%get3A_6, %get3A_7] : memref<2560x1xf32, #tpu.memory_space<vmem>>, vector<2560x1xf32>
    %add3A_9 = arith.constant 1.000000e+00 : f32
    %add3A_10 = vector.broadcast %add3A_9 : f32 to vector<2560x1xf32>
    %add3A_11 = arith.addf %get3A_8, %add3A_10 : vector<2560x1xf32>
    %div3A_12 = arith.constant 1.000000e+00 : f32
    %div3A_13 = vector.broadcast %div3A_12 : f32 to vector<2560x1xf32>
    %div3A_14 = arith.divf %div3A_13, %add3A_11 : vector<2560x1xf32>
    %get3A_15 = arith.constant 0 : index
    %get3A_16 = arith.constant 0 : index
    %get3A_17 = arith.constant 0 : index
    %get3A_18 = vector.load %arg1[%get3A_15, %get3A_16, %get3A_17] : memref<2x2560x128xf32, #tpu.memory_space<vmem>>, vector<1x2560x128xf32>
    %get3A_19 = vector.shape_cast %get3A_18 : vector<1x2560x128xf32> to vector<2560x128xf32>
    %get3A_20 = arith.constant 1 : index
    %get3A_21 = arith.constant 0 : index
    %get3A_22 = arith.constant 0 : index
    %get3A_23 = vector.load %arg1[%get3A_20, %get3A_21, %get3A_22] : memref<2x2560x128xf32, #tpu.memory_space<vmem>>, vector<1x2560x128xf32>
    %get3A_24 = vector.shape_cast %get3A_23 : vector<1x2560x128xf32> to vector<2560x128xf32>
    %add3A_25 = arith.addf %get3A_19, %get3A_24 : vector<2560x128xf32>
    %get3A_26 = arith.constant 0 : index
    %get3A_27 = arith.constant 0 : index
    %get3A_28 = vector.load %arg2[%get3A_26, %get3A_27] : memref<2560x128xf32, #tpu.memory_space<vmem>>, vector<2560x128xf32>
    %add3A_29 = arith.addf %add3A_25, %get3A_28 : vector<2560x128xf32>
    %slice3A = vector.extract_strided_slice %add3A_29 {offsets = [0, 0], sizes = [2560, 64], strides = [1, 1]} : vector<2560x128xf32> to vector<2560x64xf32>
    %mul3A = vector.broadcast %div3A_5 : vector<2560x1xf32> to vector<2560x64xf32>
    %mul3A_30 = arith.mulf %slice3A, %mul3A : vector<2560x64xf32>
    %max3A = arith.constant 0.000000e+00 : f32
    %max3A_31 = vector.broadcast %max3A : f32 to vector<2560x64xf32>
    %max3A_32 = arith.maximumf %mul3A_30, %max3A_31 : vector<2560x64xf32>
    %swap3A = arith.constant 0 : index
    %swap3A_33 = arith.constant 0 : index
    %swap3A_34 = vector.load %arg5[%swap3A, %swap3A_33] : memref<2560x128xf32, #tpu.memory_space<vmem>>, vector<2560x64xf32>
    tpu.vector_store %arg5[%swap3A, %swap3A_33], %max3A_32 {strides = array<i32>} : memref<2560x128xf32, #tpu.memory_space<vmem>>, vector<2560x64xf32>,
    %slice3A_35 = vector.extract_strided_slice %add3A_29 {offsets = [0, 64], sizes = [2560, 64], strides = [1, 1]} : vector<2560x128xf32> to vector<2560x64xf32>
    %mul3A_36 = vector.broadcast %div3A_14 : vector<2560x1xf32> to vector<2560x64xf32>
    %mul3A_37 = arith.mulf %slice3A_35, %mul3A_36 : vector<2560x64xf32>
    %max3A_38 = arith.constant 0.000000e+00 : f32
    %max3A_39 = vector.broadcast %max3A_38 : f32 to vector<2560x64xf32>
    %max3A_40 = arith.maximumf %mul3A_37, %max3A_39 : vector<2560x64xf32>
    %swap3A_41 = arith.constant 0 : index
    %swap3A_42 = arith.constant 64 : index
    %swap3A_43 = vector.load %arg5[%swap3A_41, %swap3A_42] : memref<2560x128xf32, #tpu.memory_space<vmem>>, vector<2560x64xf32>
    tpu.vector_store %arg5[%swap3A_41, %swap3A_42], %max3A_40 {strides = array<i32>} : memref<2560x128xf32, #tpu.memory_space<vmem>>, vector<2560x64xf32>,
    return
  }
  func.func @transform_0(%arg0: i32) -> (i32, i32, i32) {
    %c0_i32 = arith.constant 0 : i32
    %c0_i32_0 = arith.constant 0 : i32
    %c0_i32_1 = arith.constant 0 : i32
    return %c0_i32, %arg0, %c0_i32_0 : i32, i32, i32
  }
  func.func @transform_1(%arg0: i32) -> (i32, i32) {
    %c0_i32 = arith.constant 0 : i32
    %c0_i32_0 = arith.constant 0 : i32
    return %arg0, %c0_i32 : i32, i32
  }
  func.func @transform_2(%arg0: i32) -> (i32, i32) {
    %c0_i32 = arith.constant 0 : i32
    %c0_i32_0 = arith.constant 0 : i32
    return %arg0, %c0_i32 : i32, i32
  }
  func.func @transform_3(%arg0: i32) -> (i32, i32) {
    %c0_i32 = arith.constant 0 : i32
    %c0_i32_0 = arith.constant 0 : i32
    return %arg0, %c0_i32 : i32, i32
  }
  func.func @transform_4(%arg0: i32) -> (i32, i32) {
    %c0_i32 = arith.constant 0 : i32
    %c0_i32_0 = arith.constant 0 : i32
    return %arg0, %c0_i32 : i32, i32
  }
}

</mosaic_0001>

<sc_bundles>
// kernel: kernel.6.cloned.1.call-start
scs
__scs_entry_jumppad:
0x0: {  	(pc) =	sbr.rel $0x88, $3  }
0x1: {  	(tag) =	ssettag $0x0;
	lr =	simm.s32 $0x1  }
0x2: {  	[smem:$0x3F9D] =	sst lr;
	_ =	strace $0xD0000000  }
0x3: {  	_ = 	snop  }
0x4: {  	_ = 	snop  }
0x5: {  	_ = 	snop  }
0x6: {  	_ = 	snop  }
0x7: {  	_ = 	snop  }
__scs_overlays_trampoline_lowered:
0x8: {  	[smem:$0x3FAC] =	sst s0  }
0x9: {  	[smem:$0x3FAD] =	sst s1  }
0xa: {  	[smem:$0x3FAE] =	sst s2  }
0xb: {  	[smem:$0x3FAF] =	sst s3  }
0xc: {  	[smem:$0x3FB0] =	sst s4  }
0xd: {  	[smem:$0x3FB1] =	sst s5  }
0xe: {  	[smem:$0x3FB2] =	sst s6  }
0xf: {  	[smem:$0x3FB3] =	sst s7  }
0x10: {  	[smem:$0x3FB4] =	sst s8  }
0x11: {  	[smem:$0x3FB5] =	sst s9;
	s0 =	simm.s32 @!p0 $0x0  }
0x12: {  	s1 =	sld [smem:$0x3F9B];
	s0 =	simm.s32 @p0 $0x1  }
0x13: {  	[smem:$0x3FB6] =	sst s0;
	s0 =	simm.s32 @!p1 $0x0  }
0x14: {  	s2 =	sld [smem:$0x3F9A];
	s0 =	simm.s32 @p1 $0x1  }
0x15: {  	[smem:$0x3FB7] =	sst s0;
	s0 =	simm.s32 @!p2 $0x0  }
0x16: {  	s3 =	sld [smem:$0x3FDB];
	s0 =	simm.s32 @p2 $0x1  }
0x17: {  	s4 =	simm.s32 $0x1BF5;
	[smem:$0x3FB9] =	sst s0  }
0x18: {  	s0 =	sld [smem:$0x3F9C];
	_ =	swait.ge [sflag:s4], $0x0  }
0x19: {  	s7 =	sld [smem:$0x3F9D]  }
0x1a: {  	s8 =	sadd.s32 $0xFFFFE003, lr  }
0x1b: {  	s9 =	sadd.s32 $0xFFFFFEF7, lr;
	s5 =	simm.s32 $0xFFFFFFFF;
	p2 =	slt.u32 s8, $0xFFFFF086  }
0x1c: {  	p1 =	slt.u32 s9, $0xF7A;
	s5 =	simm.s32 @!p2 $0x0  }
0x1d: {  	s5 =	simm.s32 @p1 $0x1;
	p0 =	seq.s32 s7, s2  }
0x1e: {  	s7 =	smul.u32 @!p0 $0xF7A, s2;
	p2 =	seq.s32 @!p0 s5, $0x0  }
0x1f: {  	s9 =	smul.u32 $0xF7A, s1;
	s8 =	simm.s32 @!p0 $0x1BF5;
	p2 =	por !p2, p0  }
0x20: {  	[sflag:s8] =	ssyncset.s32 @!p0 $0xFFFFF086;
	s6 =	sadd.s32 @!p0 s3, s7;
	s7 =	simm.s32 @!p0 $0x108  }
0x21: {  	s3 =	sadd.s32 s3, s9;
	s6 =	sadd.s32 @!p0 $0x88, s6;
	s7 =	simm.s32 @p2 $0x1082  }
0x22: {  	[simem:s7], [sflag:s8] =	dma.local @!p0 [hbm:s6], $0xF7A  }
0x23: {  	s9 =	sor.u32 $0xD0000000, s2;
	s6 =	simm.s32 $0x108;
	_ =	swait.ge @!p0 [sflag:s8], $0x0  }
0x24: {  	s3 =	sadd.s32 $0x88, s3;
	s6 =	simm.s32 @!p1 $0x1082;
	[sflag:s4] =	ssyncset.s32 $0xFFFFF086  }
0x25: {  	[simem:s6], [sflag:s4] =	dma.local [hbm:s3], $0xF7A  }
0x26: {  	[smem:$0x3F9D] =	sst s1;
	(tag) =	ssettag s2;
	_ =	strace s9  }
0x27: {  	s1 =	sld [smem:$0x3FAD]  }
0x28: {  	s2 =	sld [smem:$0x3FAE]  }
0x29: {  	s4 =	sld [smem:$0x3FB0]  }
0x2a: {  	p0 =	seq.s32 s5, $0x0;
	s5 =	sld [smem:$0x3FB1]  }
0x2b: {  	s6 =	sld [smem:$0x3FB2]  }
0x2c: {  	s7 =	sld [smem:$0x3FB3]  }
0x2d: {  	s3 =	simm.s32 $0x108;
	s8 =	sld [smem:$0x3FB4]  }
0x2e: {  	s3 =	simm.s32 @!p0 $0x1082;
	s9 =	sld [smem:$0x3FB5]  }
0x2f: {  	lr =	sadd.s32 s0, s3;
	s0 =	sld [smem:$0x3FAC]  }
0x30: {  	s3 =	sld [smem:$0x3FAF]  }
0x31: {  	[smem:$0x3FB8] =	sst s10  }
0x32: {  	s10 =	sld [smem:$0x3FB6];
	_ =	sdelay $0x3  }
0x33: {  	p0 =	seq.s32 s10, $0x1;
	s10 =	sld [smem:$0x3FB8];
	_ =	sdelay $0x3  }
0x34: {  	[smem:$0x3FB8] =	sst s10  }
0x35: {  	s10 =	sld [smem:$0x3FB7];
	_ =	sdelay $0x3  }
0x36: {  	p1 =	seq.s32 s10, $0x1;
	s10 =	sld [smem:$0x3FB8];
	_ =	sdelay $0x3  }
0x37: {  	[smem:$0x3FB8] =	sst s10  }
0x38: {  	s10 =	sld [smem:$0x3FB9]  }
0x39: {  	_ = 	snop;
	(pc) =	sbr.ind lr, $3  }
0x3a: {  	_ = 	snop  }
0x3b: {  	_ = 	snop  }
0x3c: {  	p2 =	seq.s32 s10, $0x1;
	s10 =	sld [smem:$0x3FB8]  }
0x3d: {  	_ =	shalt  }
0x3e: {  	_ =	shalt  }
0x3f: {  	_ =	shalt  }
0x40: {  	_ =	shalt  }
0x41: {  	_ =	shalt  }
0x42: {  	_ =	shalt  }
0x43: {  	_ =	shalt  }
0x44: {  	_ =	shalt  }
0x45: {  	_ =	shalt  }
0x46: {  	_ =	shalt  }
0x47: {  	_ =	shalt  }
0x48: {  	_ =	shalt  }
0x49: {  	_ =	shalt  }
0x4a: {  	_ =	shalt  }
0x4b: {  	_ =	shalt  }
0x4c: {  	_ =	shalt  }
0x4d: {  	_ =	shalt  }
0x4e: {  	_ =	shalt  }
0x4f: {  	_ =	shalt  }
0x50: {  	_ =	shalt  }
0x51: {  	_ =	shalt  }
0x52: {  	_ =	shalt  }
0x53: {  	_ =	shalt  }
0x54: {  	_ =	shalt  }
0x55: {  	_ =	shalt  }
0x56: {  	_ =	shalt  }
0x57: {  	_ =	shalt  }
0x58: {  	_ =	shalt  }
0x59: {  	_ =	shalt  }
0x5a: {  	_ =	shalt  }
0x5b: {  	_ =	shalt  }
0x5c: {  	_ =	shalt  }
0x5d: {  	_ =	shalt  }
0x5e: {  	_ =	shalt  }
0x5f: {  	_ =	shalt  }
0x60: {  	_ =	shalt  }
0x61: {  	_ =	shalt  }
0x62: {  	_ =	shalt  }
0x63: {  	_ =	shalt  }
0x64: {  	_ =	shalt  }
0x65: {  	_ =	shalt  }
0x66: {  	_ =	shalt  }
0x67: {  	_ =	shalt  }
0x68: {  	_ =	shalt  }
0x69: {  	_ =	shalt  }
0x6a: {  	_ =	shalt  }
0x6b: {  	_ =	shalt  }
0x6c: {  	_ =	shalt  }
0x6d: {  	_ =	shalt  }
0x6e: {  	_ =	shalt  }
0x6f: {  	_ =	shalt  }
0x70: {  	_ =	shalt  }
0x71: {  	_ =	shalt  }
0x72: {  	_ =	shalt  }
0x73: {  	_ =	shalt  }
0x74: {  	_ =	shalt  }
0x75: {  	_ =	shalt  }
0x76: {  	_ =	shalt  }
0x77: {  	_ =	shalt  }
0x78: {  	_ =	shalt  }
0x79: {  	_ =	shalt  }
0x7a: {  	_ =	shalt  }
0x7b: {  	_ =	shalt  }
0x7c: {  	_ =	shalt  }
0x7d: {  	_ =	shalt  }
0x7e: {  	_ =	shalt  }
0x7f: {  	_ =	shalt  }
0x80: {  	_ =	shalt  }
0x81: {  	_ =	shalt  }
0x82: {  	_ =	shalt  }
0x83: {  	_ =	shalt  }
0x84: {  	_ =	shalt  }
0x85: {  	_ =	shalt  }
0x86: {  	_ =	shalt  }
0x87: {  	_ =	shalt  }
.Lfunc_end0:
.L_simem_size_0:
called_computation_lowered:
.L_overlay_start_0:
0x88: {  	s2 =	sld [smem:$0x3FD9]  }
0x89: {  	s3 =	sld [smem:$0x3FFE];
	_ =	sdelay $0x1  }
0x8a: {  	s1 =	srdreg.scid  }
0x8b: {  	s0 =	sand.u32 $0x1, s1  }
0x8c: {  	s17 =	sshll.u32 s0, $0xA;
	s2 =	sadd.s32 s3, s2  }
0x8d: {  	s2 =	sadd.s32 s2, s17  }
0x8e: {  	[smem:$0x3FC4] =	sst s2  }
0x8f: {  	_ = 	snop  }
0x90: {  	s2 =	sld [smem:$0x3FC9]  }
0x91: {  	s18 =	sld [smem:$0x3FD0];
	(tm) =	ssettm $0x1  }
0x92: {  	s4 =	sld [smem:$0x3FFB];
	_ =	sdelay $0x3  }
0x93: {  	_ =	strace s4  }
0x94: {  	s4 =	sld [smem:$0x3FFC];
	_ =	sdelay $0x3  }
0x95: {  	_ =	strace s4  }
0x96: {  	s4 =	sld [smem:$0x3FFD];
	_ =	sdelay $0x3  }
0x97: {  	_ =	strace s4  }
0x98: {  	_ =	strace $0x8FFFFFFF  }
0x99: {  	s19 =	sld [smem:$0x3FDB];
	_ =	sdelay $0x1  }
0x9a: {  	s5 =	simm.s32 $_scs_section_size  }
0x9b: {  	s6 =	simm.s32 $_size__tile_overlayer_lowered;
	s7 =	simm.s32 $_tile_overlayer_lowered  }
0x9c: {  	s22 =	simm.s32 $0x1BFF;
	s21 =	sshll.u32 s7, $0x1;
	s4 =	sadd.s32 s5, s19  }
0x9d: {  	s8 =	simm.s32 $0x0;
	s20 =	sshll.u32 s6, $0x1;
	s6 =	sadd.s32 s21, s4  }
0x9e: {  	[timem:s8], [sflag:s22] =	dma.local [hbm:s6], s20  }
0x9f: {  	_ =	swait.ge [sflag:s22], s20  }
0xa0: {  	s5 =	ssub.s32 $0x0, s20;
	[sflag:s22] =	ssyncset.done $0x0  }
0xa1: {  	[sflag:s22] =	ssyncadd.s32 s5;
	_ =	sdelay $0x1  }
0xa2: {  	s23 =	simm.s32 $0x1B8B  }
0xa3: {  	_ =	swait.ge [sflag:s23], $0x1  }
0xa4: {  	[sflag:s23] =	ssyncset.done $0x0  }
0xa5: {  	s25 =	simm.s32 $0x1B8E;
	s24 =	sld [smem:$0x3FFE];
	[sflag:s23] =	ssyncadd.s32 $0xFFFFFFFF  }
0xa6: {  	s26 =	simm.s32 $execute0_lowered;
	[smem:$0x3FD2] =	sst s25  }
0xa7: {  	s6 =	sshll.u32 s26, $0x1;
	_ =	strace $0x80000046;
	[dreg:$0x1] =	wrdreg $0xFFFFFFFF  }
0xa8: {  	s28 =	simm.s32 $_size_execute0_lowered;
	s4 =	sadd.s32 s4, s6;
	[dreg:$0x0] =	wrdreg $0x0  }
0xa9: {  	s6 =	sshll.u32 s28, $0x1;
	[dreg:$0x2] =	wrdreg s4  }
0xaa: {  	[dreg:$0x3] =	wrdreg s6  }
0xab: {  	[dreg:$0x4] =	wrdreg $0xC0  }
0xac: {  	_ =	task [dreg:s8], $0x5FFFF  }
0xad: {  	[dreg:$0x1] =	wrdreg $0xFFFFFFFF  }
0xae: {  	[dreg:$0x0] =	wrdreg $0x60  }
0xaf: {  	[dreg:$0x2] =	wrdreg s18  }
0xb0: {  	[dreg:$0x3] =	wrdreg s2  }
0xb1: {  	[dreg:$0x4] =	wrdreg s24  }
0xb2: {  	[dreg:$0x5] =	wrdreg $0xDB100  }
0xb3: {  	[dreg:$0x6] =	wrdreg $0x17B100  }
0xb4: {  	[dreg:$0x7] =	wrdreg $0x9  }
0xb5: {  	_ =	task.clear_ibuf [dreg:s8], $0x8FFFF;
	_ =	strace $0x90000046  }
0xb6: {  	s29 =	simm.s32 $0x9;
	_ =	strace $0x80000048  }
0xb7: {  	_ =	swait.ge [sflag:s29], $0x1  }
0xb8: {  	[sflag:s29] =	ssyncadd.s32 $0xFFFFFFFF  }
0xb9: {  	_ =	strace $0x90000048  }
0xba: {  	_ =	sfence  }
0xbb: {  	s30 =	sld [smem:$0x0];
	_ =	sdelay $0x2  }
0xbc: {  	s31 =	sshll.u32 s1, $0xD;
	s1 =	sshrl.u32 s1, $0x2  }
0xbd: {  	s3 =	sand.u32 $0x4000, s31;
	s1 =	sadd.s32 s1, s30  }
0xbe: {  	s0 =	sor.u32 s3, s0;
	s1 =	sshll.u32 s1, $0x11  }
0xbf: {  	s0 =	sor.u32 s1, s0  }
0xc0: {  	s0 =	sadd.s32 $0x8F2B, s0  }
0xc1: {  	[sflag:s0] =	ssyncadd.remote.s32 $0x1  }
0xc2: {  	_ =	sfence.sel $0xFFFF  }
0xc3: {  	[dreg:$0x0] =	wrdreg $0xFFFFFFFF;
	(pc) =	sbr.abs _section_cstart, $3  }
0xc4: {  	[dreg:$0x1] =	wrdreg $0xFFFFFFFF  }
0xc5: {  	_ =	task.clear_ibuf [dreg:s8], $0x2FFFF;
	_ =	strace $0x9FFFFFFF  }
0xc6: {  	(tm) =	ssettm $0x7FFFFFFF  }
0xc7: {  	_ =	shalt  }
tec
execute0_lowered:
.L_overlay_start_1:
0x0: {  	(tag) =	ssettag $0x1  }
0x1: {  	s1 =	rddreg [dreg:$0x0]  }
0x2: {  	s0 =	rddreg [dreg:$0x1]  }
0x3: {  	s2 =	rddreg [dreg:$0x2]  }
0x4: {  	s4 =	srdreg.scid;
	s13 =	stileid.u32  }
0x5: {  	s3 =	rddreg [dreg:$0x3];
	s8 =	smul.u32 $0xA000, s13  }
0x6: {  	s5 =	simm.s32 $0x0;
	s28 =	simm.s32 $0xC440;
	s9 =	smul.u32 $0x280, s13  }
0x7: {  	s30 =	simm.s32 $0x50;
	s31 =	simm.s32 $0x9C40;
	s11 =	smul.u32 $0x4E20, s13  }
0x8: {  	s7 =	sand.u32 $0x1, s4;
	s4 =	rddreg [dreg:$0x4];
	s20 =	smul.u32 $0x28000, s13  }
0x9: {  	s29 =	simm.s32 $0x9BA0;
	[smem:$0x7FF] =	sst s5;
	s6 =	smul.u32 $0xA0000, s7  }
0xa: {  	s10 =	smul.u32 $0x2800, s7;
	_ =	strace $0x80000047;
	s18 =	ssub.s32 $0x2, s7  }
0xb: {  	v0 =	vmov s7;
	s7 =	simm.s32 $0x0;
	s19 =	sshrl.u32 s18, $0x1;
	s11 =	sshrl.u32 s11, $0x3  }
0xc: {  	s6 =	sadd.s32 s8, s6;
	s10 =	sadd.s32 s9, s10;
	s14 =	ssub.s32 s18, s19  }
0xd: {  	s8 =	sadd.s32 s8, s3;
	s6 =	sshrl.u32 s6, $0x3;
	s17 =	sshrl.u32 s10, $0x3  }
0xe: {  	s25 =	smax.u32 s14, $0x1;
	s12 =	sadd.s32 s6, s2;
	s6 =	sadd.s32 s1, s11  }
0xf: {  	s10 =	sadd.s32 s9, s4;
	[dreg:$0xb] =	wrdreg s25;
	s21 =	sadd.s32 $0x4E2, s6  }
0x10: {  	s2 =	sadd.s32 s17, s2;
	s22 =	sadd.s32 $0x9C40, s6;
	[dreg:$0x6] =	wrdreg s21  }
0x11: {  	s1 =	sshrl.u32 s20, $0x2;
	s23 =	sadd.s32 $0xA122, s6;
	[dreg:$0x7] =	wrdreg s22  }
0x12: {  	s25 =	simm.s32 $0xD840;
	s24 =	sadd.s32 $0x2C00, s12;
	[dreg:$0x8] =	wrdreg s23  }
0x13: {  	s2 =	sadd.s32 $0x2200, s2;
	s13 =	sadd.s32 s1, s3;
	[dreg:$0x9] =	wrdreg s24  }
0x14: {  	s1 =	simm.s32 $0x9BF0;
	[dreg:$0xa] =	wrdreg s2;
	s26 =	sadd.s32 $0x1400, s13  }
0x15: {  	s16 =	sadd.s32 $0x2800, s13;
	s17 =	sadd.s32 $0x3C00, s13;
	s18 =	sadd.s32 $0x5000, s13  }
0x16: {  	s19 =	sadd.s32 $0x6400, s13;
	s20 =	sadd.s32 $0x7800, s13;
	s21 =	sadd.s32 $0x8C00, s13  }
0x17: {  	s22 =	simm.s32 $0x3;
	s24 =	sshrl.u32 s8, $0x3;
	s2 =	simm.s32 $0xB040  }
0x18: {  	v1 =	vimm.f32 $0.0e+00;
	v2 =	vimm.f32 $1.000000000e+00;
	s23 =	simm.s32 $0x1;
	[dreg:$0xc] =	wrdreg s26;
	s26 =	simm.s32 $0x2  }
.LBB2_1:
0x19: {  	[tilespmem:s5], [sflag:$0x3] =	stream.linear.gather [hbm4b:s6+s5], $0x2710, $0x38;
	[tilespmem:$0x17D90] =	vst v63  }
0x1a: {  	_ =	swait.ge [sflag:s22], $0x2710  }
0x1b: {  	[sflag:s22] =	ssyncset.done $0x0  }
0x1c: {  	s9 =	simm.s32 $0x2710;
	s8 =	rddreg [dreg:$0x6];
	[sflag:s22] =	ssyncadd.s32 $0xFFFFD8F0  }
0x1d: {  	[tilespmem:s9], [sflag:$0x3] =	stream.linear.gather [hbm4b:s8+s5], $0x2710, $0x38;
	[tilespmem:$0x17D90] =	vst v63  }
0x1e: {  	s15 =	smul.u32 $0xCCCD, s5;
	_ =	swait.ge [sflag:s22], $0x2710  }
0x1f: {  	s14 =	simm.s32 $0x4E20;
	[sflag:s22] =	ssyncset.done $0x0  }
0x20: {  	s8 =	sshrl.u32 s15, $0x12;
	s12 =	rddreg [dreg:$0x7];
	[sflag:s22] =	ssyncadd.s32 $0xFFFFD8F0  }
0x21: {  	[tilespmem:s14], [sflag:$0x3] =	stream.linear.gather [hbm4b:s12+s5], $0x2710, $0x38;
	[tilespmem:$0x17D90] =	vst v63  }
0x22: {  	s14 =	smul.u32 $0x5, s8  }
0x23: {  	s8 =	smul.u32 $0x140, s8;
	_ =	swait.ge [sflag:s22], $0x2710  }
0x24: {  	s11 =	simm.s32 $0x7530;
	[sflag:s22] =	ssyncset.done $0x0;
	s12 =	rddreg [dreg:$0x8]  }
0x25: {  	s9 =	ssub.s32 $0x0, s14;
	s8 =	sshrl.u32 s8, $0x2;
	[sflag:s22] =	ssyncadd.s32 $0xFFFFD8F0  }
0x26: {  	[tilespmem:s11], [sflag:$0x3] =	stream.linear.gather [hbm4b:s12+s5], $0x2710, $0x38;
	[tilespmem:$0x17D90] =	vst v63  }
0x27: {  	s15 =	sand.u32 $0xFFFF, s9;
	s9 =	simm.s32 $0x1;
	_ =	swait.ge [sflag:s22], $0x2710  }
0x28: {  	s14 =	sshll.u32 s15, $0x4;
	s12 =	smul.u32 $0xCCCD, s9;
	[sflag:s22] =	ssyncset.done $0x0  }
0x29: {  	s11 =	simm.s32 $0x2;
	s8 =	sadd.s32 s14, s8;
	[sflag:s22] =	ssyncadd.s32 $0xFFFFD8F0  }
.LBB2_2:
0x2a: {  	p0 =	sne.s32 s11, $0x4E1;
	v3 =	vld [tilespmem:s8+$0x0]  }
0x2b: {  	s12 =	sshrl.u32 s12, $0x12  }
0x2c: {  	s14 =	smul.u32 $0x5, s12  }
.Ltmp0:
0x2d: {  	(pc) =	sbr.rel @p0 .LBB2_2-.Ltmp0, $4  }
0x2e: {  	s12 =	smul.u32 $0x140, s12;
	s14 =	ssub.s32 s9, s14;
	s9 =	smov.u32 s11  }
0x2f: {  	s14 =	sand.u32 $0xFFFF, s14;
	v3 =	vshll.u32 v3, $0x1  }
0x30: {  	s15 =	sshrl.u32 s12, $0x2;
	s14 =	sshll.u32 s14, $0x4;
	v3 =	vor.u32 v0, v3  }
0x31: {  	s11 =	sadd.s32 $0x1, s11;
	s12 =	smul.u32 $0xCCCD, s9;
	[tilespmem:s8+$0x0] =	vst v3;
	s8 =	sadd.s32 s14, s15  }
0x32: {  	v3 =	vld [tilespmem:s8+$0x0]  }
0x33: {  	s11 =	sshrl.u32 s12, $0x12  }
0x34: {  	s12 =	smul.u32 $0x5, s11;
	_ =	sdelay $0x1  }
0x35: {  	s11 =	smul.u32 $0x140, s11;
	s9 =	ssub.s32 s9, s12  }
0x36: {  	s9 =	sand.u32 $0xFFFF, s9;
	v3 =	vshll.u32 v3, $0x1  }
0x37: {  	s11 =	sshrl.u32 s11, $0x2;
	s9 =	sshll.u32 s9, $0x4;
	v3 =	vor.u32 v0, v3  }
0x38: {  	s9 =	sadd.s32 s9, s11;
	[tilespmem:s8+$0x0] =	vst v3  }
0x39: {  	v3 =	vld [tilespmem:s9+$0x0];
	_ =	sdelay $0x3  }
0x3a: {  	s8 =	simm.s32 $0x0  }
0x3b: {  	s14 =	sand.u32 $0x7F00, s8;
	v3 =	vshll.u32 v3, $0x1  }
0x3c: {  	s15 =	sand.u32 $0x30, s8;
	s11 =	sshrl.u32 s14, $0x2;
	v3 =	vor.u32 v0, v3  }
0x3d: {  	s11 =	sor.u32 s15, s11;
	[tilespmem:s9+$0x0] =	vst v3;
	s9 =	simm.s32 $0x40  }
.LBB2_4:
0x3e: {  	p0 =	sne.s32 s9, $0x4FC0  }
0x3f: {  	[tilespmem:s11+$0xC440] =	vst v1;
	s8 =	sadd.s32 $0x10, s8;
	s11 =	smov.u32 s9;
	s9 =	sadd.s32 $0x40, s9  }
.Ltmp1:
0x40: {  	(pc) =	sbr.rel @p0 .LBB2_4-.Ltmp1, $4  }
0x41: {  	_ = 	snop  }
0x42: {  	s11 =	sand.u32 $0x7F00, s11  }
0x43: {  	s12 =	sand.u32 $0x30, s8;
	s11 =	sshrl.u32 s11, $0x2  }
0x44: {  	s11 =	sor.u32 s12, s11  }
0x45: {  	[tilespmem:s11+$0xC440] =	vst v1  }
0x46: {  	[tilespmem:$0xD890] =	vst v1  }
0x47: {  	[tilespmem:$0xD8A0] =	vst v1  }
0x48: {  	[tilespmem:$0xD8B0] =	vst v1  }
0x49: {  	[tilespmem:$0xD8C0] =	vst v1  }
0x4a: {  	[tilespmem:$0xD8D0] =	vst v1  }
0x4b: {  	[tilespmem:$0xD8E0] =	vst v1  }
0x4c: {  	[tilespmem:$0xD8F0] =	vst v1  }
0x4d: {  	[tilespmem:$0xD900] =	vst v1  }
0x4e: {  	[tilespmem:$0xD910] =	vst v1  }
0x4f: {  	[tilespmem:$0xD920] =	vst v1  }
0x50: {  	[tilespmem:$0xD930] =	vst v1  }
0x51: {  	[tilespmem:$0xD940] =	vst v1  }
0x52: {  	[tilespmem:$0xD950] =	vst v1  }
0x53: {  	[tilespmem:$0xD960] =	vst v1  }
0x54: {  	[tilespmem:$0xD970] =	vst v1  }
0x55: {  	[tilespmem:$0xD980] =	vst v1  }
0x56: {  	[tilespmem:$0xD990] =	vst v1  }
0x57: {  	[tilespmem:$0xD9A0] =	vst v1  }
0x58: {  	[tilespmem:$0xD9B0] =	vst v1  }
0x59: {  	[tilespmem:$0xD9C0] =	vst v1  }
0x5a: {  	[tilespmem:$0xD9D0] =	vst v1  }
0x5b: {  	[tilespmem:$0xD9E0] =	vst v1  }
0x5c: {  	[tilespmem:$0xD9F0] =	vst v1  }
0x5d: {  	[tilespmem:$0xDA00] =	vst v1  }
0x5e: {  	[tilespmem:$0xDA10] =	vst v1  }
0x5f: {  	[tilespmem:$0xDA20] =	vst v1  }
0x60: {  	[tilespmem:$0xDA30] =	vst v1  }
0x61: {  	[tilespmem:$0xDA40] =	vst v1  }
0x62: {  	[tilespmem:$0xDA50] =	vst v1  }
0x63: {  	[tilespmem:$0xDA60] =	vst v1  }
0x64: {  	[tilespmem:$0xDA70] =	vst v1  }
0x65: {  	[tilespmem:$0xDA80] =	vst v1  }
0x66: {  	[tilespmem:$0xDA90] =	vst v1  }
0x67: {  	[tilespmem:$0xDAA0] =	vst v1  }
0x68: {  	[tilespmem:$0xDAB0] =	vst v1  }
0x69: {  	[tilespmem:$0xDAC0] =	vst v1  }
0x6a: {  	[tilespmem:$0xDAD0] =	vst v1  }
0x6b: {  	[tilespmem:$0xDAE0] =	vst v1  }
0x6c: {  	[tilespmem:$0xDAF0] =	vst v1  }
0x6d: {  	[tilespmem:$0xDB00] =	vst v1  }
0x6e: {  	[tilespmem:$0xD840] =	vst v2  }
0x6f: {  	[tilespmem:$0xD850] =	vst v2  }
0x70: {  	[tilespmem:$0xD860] =	vst v2  }
0x71: {  	[tilespmem:$0xD870] =	vst v2  }
0x72: {  	[tilespmem:$0xD880] =	vst v2  }
0x73: {  	[spmem:s13] =	stream.linear.scatter [tilespmem:s28], [sflag:$0x3], $0x1400, $0x38;
	[tilespmem:$0x17D90] =	vst v63  }
0x74: {  	_ =	swait.ge [sflag:s22], $0x1400  }
0x75: {  	[sflag:s22] =	ssyncset.done $0x0  }
0x76: {  	s8 =	rddreg [dreg:$0xc];
	[sflag:s22] =	ssyncadd.s32 $0xFFFFEC00  }
0x77: {  	[spmem:s8] =	stream.linear.scatter [tilespmem:s28], [sflag:$0x3], $0x1400, $0x38;
	[tilespmem:$0x17D90] =	vst v63  }
0x78: {  	_ =	swait.ge [sflag:s22], $0x1400  }
0x79: {  	[sflag:s22] =	ssyncset.done $0x0  }
0x7a: {  	[sflag:s22] =	ssyncadd.s32 $0xFFFFEC00  }
0x7b: {  	[spmem:s16] =	stream.linear.scatter [tilespmem:s28], [sflag:$0x3], $0x1400, $0x38;
	[tilespmem:$0x17D90] =	vst v63  }
0x7c: {  	_ =	swait.ge [sflag:s22], $0x1400  }
0x7d: {  	[sflag:s22] =	ssyncset.done $0x0  }
0x7e: {  	[sflag:s22] =	ssyncadd.s32 $0xFFFFEC00  }
0x7f: {  	[spmem:s17] =	stream.linear.scatter [tilespmem:s28], [sflag:$0x3], $0x1400, $0x38;
	[tilespmem:$0x17D90] =	vst v63  }
0x80: {  	_ =	swait.ge [sflag:s22], $0x1400  }
0x81: {  	[sflag:s22] =	ssyncset.done $0x0  }
0x82: {  	[sflag:s22] =	ssyncadd.s32 $0xFFFFEC00  }
0x83: {  	[spmem:s18] =	stream.linear.scatter [tilespmem:s28], [sflag:$0x3], $0x1400, $0x38;
	[tilespmem:$0x17D90] =	vst v63  }
0x84: {  	_ =	swait.ge [sflag:s22], $0x1400  }
0x85: {  	[sflag:s22] =	ssyncset.done $0x0  }
0x86: {  	[sflag:s22] =	ssyncadd.s32 $0xFFFFEC00  }
0x87: {  	[spmem:s19] =	stream.linear.scatter [tilespmem:s28], [sflag:$0x3], $0x1400, $0x38;
	[tilespmem:$0x17D90] =	vst v63  }
0x88: {  	_ =	swait.ge [sflag:s22], $0x1400  }
0x89: {  	[sflag:s22] =	ssyncset.done $0x0  }
0x8a: {  	[sflag:s22] =	ssyncadd.s32 $0xFFFFEC00  }
0x8b: {  	[spmem:s20] =	stream.linear.scatter [tilespmem:s28], [sflag:$0x3], $0x1400, $0x38;
	[tilespmem:$0x17D90] =	vst v63  }
0x8c: {  	_ =	swait.ge [sflag:s22], $0x1400  }
0x8d: {  	[sflag:s22] =	ssyncset.done $0x0  }
0x8e: {  	[sflag:s22] =	ssyncadd.s32 $0xFFFFEC00  }
0x8f: {  	[spmem:s21] =	stream.linear.scatter [tilespmem:s28], [sflag:$0x3], $0x1400, $0x38;
	[tilespmem:$0x17D90] =	vst v63  }
0x90: {  	_ =	swait.ge [sflag:s22], $0x1400  }
0x91: {  	[sflag:s22] =	ssyncset.done $0x0  }
0x92: {  	s9 =	simm.s32 $0xD890;
	[sflag:s22] =	ssyncadd.s32 $0xFFFFEC00  }
0x93: {  	[spmem:s10] =	stream.linear.scatter [tilespmem:s9], [sflag:$0x3], $0x280, $0x38;
	[tilespmem:$0x17D90] =	vst v63  }
0x94: {  	_ =	swait.ge [sflag:s22], $0x280  }
0x95: {  	[sflag:s22] =	ssyncset.done $0x0  }
0x96: {  	[sflag:s22] =	ssyncadd.s32 $0xFFFFFD80  }
0x97: {  	s11 =	simm.s32 $0x0;
	[bflag:$0x0] =	sbarrier.arrive $0xFFFF  }
0x98: {  	[tilespmem:s31], [sflag:$0x1] =	stream.indirect.gather [hbm4b:s0+s30], $0x40, s11, s30, $0xb8;
	[tilespmem:$0x17D90] =	vst v63  }
0x99: {  	_ = 	snop  }
0x9a: {  	[tilespmem:s2], [sflag:$0x2] =	stream.indirect.gather [hbm4b:s0+s30], $0x40, s30, s30, $0xb8;
	[tilespmem:$0x17D90] =	vst v63  }
0x9b: {  	_ =	swait.ge [sflag:s23], $0x1400  }
0x9c: {  	[sflag:s23] =	ssyncset.done $0x0  }
0x9d: {  	s12 =	simm.s32 $0x4E20;
	[sflag:s23] =	ssyncadd.s32 $0xFFFFEC00  }
0x9e: {  	[spmem:s3] =	stream.indirect.scatter.add.f32 [tilespmem:s31], [sflag:$0x3], $0x40, s12, s30, $0xb8;
	[tilespmem:$0x17D90] =	vst v63  }
0x9f: {  	_ =	swait.ge [sflag:s22], $0x1400  }
0xa0: {  	[sflag:s22] =	ssyncset.done $0x0  }
0xa1: {  	[sflag:s22] =	ssyncadd.s32 $0xFFFFEC00  }
0xa2: {  	[spmem:s4] =	stream.indirect.scatter.add.f32 [tilespmem:s25], [sflag:$0x3], $0x1, s12, s30, $0xb8;
	[tilespmem:$0x17D90] =	vst v63  }
0xa3: {  	_ =	swait.ge [sflag:s22], $0x50  }
0xa4: {  	[sflag:s22] =	ssyncset.done $0x0  }
0xa5: {  	s14 =	simm.s32 $0xA0;
	[sflag:s22] =	ssyncadd.s32 $0xFFFFFFB0  }
0xa6: {  	[tilespmem:s31], [sflag:$0x1] =	stream.indirect.gather [hbm4b:s0+s30], $0x40, s14, s30, $0xb8;
	[tilespmem:$0x17D90] =	vst v63  }
0xa7: {  	_ =	swait.ge [sflag:s26], $0x1400  }
0xa8: {  	[sflag:s26] =	ssyncset.done $0x0  }
0xa9: {  	s15 =	simm.s32 $0x4E70;
	[sflag:s26] =	ssyncadd.s32 $0xFFFFEC00  }
0xaa: {  	[spmem:s3] =	stream.indirect.scatter.add.f32 [tilespmem:s2], [sflag:$0x3], $0x40, s15, s30, $0xb8;
	[tilespmem:$0x17D90] =	vst v63  }
0xab: {  	_ =	swait.ge [sflag:s22], $0x1400  }
0xac: {  	[sflag:s22] =	ssyncset.done $0x0  }
0xad: {  	[sflag:s22] =	ssyncadd.s32 $0xFFFFEC00  }
0xae: {  	[spmem:s4] =	stream.indirect.scatter.add.f32 [tilespmem:s25], [sflag:$0x3], $0x1, s15, s30, $0xb8;
	[tilespmem:$0x17D90] =	vst v63  }
0xaf: {  	_ =	swait.ge [sflag:s22], $0x50  }
0xb0: {  	[sflag:s22] =	ssyncset.done $0x0  }
0xb1: {  	s8 =	simm.s32 $0x280;
	s9 =	simm.s32 $0xF0;
	[sflag:s22] =	ssyncadd.s32 $0xFFFFFFB0  }
.LBB2_6:
0xb2: {  	[tilespmem:s2], [sflag:$0x2] =	stream.indirect.gather [hbm4b:s0+s30], $0x40, s9, s30, $0xb8;
	[tilespmem:$0x17D90] =	vst v63  }
0xb3: {  	s9 =	smov.u32 s8  }
0xb4: {  	p0 =	sne.s32 s8, $0x13380;
	s8 =	sadd.s32 $0x280, s8;
	_ =	swait.ge [sflag:s23], $0x1400  }
0xb5: {  	s9 =	sshra.s32 s9, $0x2;
	[sflag:s23] =	ssyncset.done $0x0  }
0xb6: {  	s11 =	sadd.s32 $0x4E20, s9;
	[sflag:s23] =	ssyncadd.s32 $0xFFFFEC00  }
0xb7: {  	[spmem:s3] =	stream.indirect.scatter.add.f32 [tilespmem:s31], [sflag:$0x3], $0x40, s11, s30, $0xb8;
	[tilespmem:$0x17D90] =	vst v63  }
0xb8: {  	_ =	swait.ge [sflag:s22], $0x1400  }
0xb9: {  	[sflag:s22] =	ssyncset.done $0x0  }
0xba: {  	[sflag:s22] =	ssyncadd.s32 $0xFFFFEC00  }
0xbb: {  	[spmem:s4] =	stream.indirect.scatter.add.f32 [tilespmem:s25], [sflag:$0x3], $0x1, s11, s30, $0xb8;
	[tilespmem:$0x17D90] =	vst v63  }
0xbc: {  	_ =	swait.ge [sflag:s22], $0x50  }
0xbd: {  	[sflag:s22] =	ssyncset.done $0x0  }
0xbe: {  	s11 =	sadd.s32 $0xA0, s9;
	[sflag:s22] =	ssyncadd.s32 $0xFFFFFFB0  }
0xbf: {  	[tilespmem:s31], [sflag:$0x1] =	stream.indirect.gather [hbm4b:s0+s30], $0x40, s11, s30, $0xb8;
	[tilespmem:$0x17D90] =	vst v63  }
0xc0: {  	_ =	swait.ge [sflag:s26], $0x1400  }
0xc1: {  	[sflag:s26] =	ssyncset.done $0x0  }
0xc2: {  	s11 =	sadd.s32 $0x4E70, s9;
	[sflag:s26] =	ssyncadd.s32 $0xFFFFEC00  }
0xc3: {  	[spmem:s3] =	stream.indirect.scatter.add.f32 [tilespmem:s2], [sflag:$0x3], $0x40, s11, s30, $0xb8;
	[tilespmem:$0x17D90] =	vst v63  }
0xc4: {  	_ =	swait.ge [sflag:s22], $0x1400  }
0xc5: {  	[sflag:s22] =	ssyncset.done $0x0  }
.Ltmp2:
0xc6: {  	[sflag:s22] =	ssyncadd.s32 $0xFFFFEC00;
	(pc) =	sbr.rel @p0 .LBB2_6-.Ltmp2, $4  }
0xc7: {  	[spmem:s4] =	stream.indirect.scatter.add.f32 [tilespmem:s25], [sflag:$0x3], $0x1, s11, s30, $0xb8;
	[tilespmem:$0x17D90] =	vst v63  }
0xc8: {  	_ =	swait.ge [sflag:s22], $0x50  }
0xc9: {  	[sflag:s22] =	ssyncset.done $0x0  }
0xca: {  	s9 =	sadd.s32 $0xF0, s9;
	[sflag:s22] =	ssyncadd.s32 $0xFFFFFFB0  }
0xcb: {  	[tilespmem:s2], [sflag:$0x2] =	stream.indirect.gather [hbm4b:s0+s30], $0x40, s9, s30, $0xb8;
	[tilespmem:$0x17D90] =	vst v63  }
0xcc: {  	_ =	swait.ge [sflag:s23], $0x1400  }
0xcd: {  	[sflag:s23] =	ssyncset.done $0x0  }
0xce: {  	[sflag:s23] =	ssyncadd.s32 $0xFFFFEC00  }
0xcf: {  	[spmem:s3] =	stream.indirect.scatter.add.f32 [tilespmem:s31], [sflag:$0x3], $0x40, s29, s30, $0xb8;
	[tilespmem:$0x17D90] =	vst v63  }
0xd0: {  	_ =	swait.ge [sflag:s22], $0x1400  }
0xd1: {  	[sflag:s22] =	ssyncset.done $0x0  }
0xd2: {  	[sflag:s22] =	ssyncadd.s32 $0xFFFFEC00  }
0xd3: {  	[spmem:s4] =	stream.indirect.scatter.add.f32 [tilespmem:s25], [sflag:$0x3], $0x1, s29, s30, $0xb8;
	[tilespmem:$0x17D90] =	vst v63  }
0xd4: {  	_ =	swait.ge [sflag:s22], $0x50  }
0xd5: {  	[sflag:s22] =	ssyncset.done $0x0  }
0xd6: {  	[sflag:s22] =	ssyncadd.s32 $0xFFFFFFB0  }
0xd7: {  	_ =	swait.ge [sflag:s26], $0x1400  }
0xd8: {  	[sflag:s26] =	ssyncset.done $0x0  }
0xd9: {  	[sflag:s26] =	ssyncadd.s32 $0xFFFFEC00  }
0xda: {  	[spmem:s3] =	stream.indirect.scatter.add.f32 [tilespmem:s2], [sflag:$0x3], $0x40, s1, s30, $0xb8;
	[tilespmem:$0x17D90] =	vst v63  }
0xdb: {  	_ =	swait.ge [sflag:s22], $0x1400  }
0xdc: {  	[sflag:s22] =	ssyncset.done $0x0  }
0xdd: {  	[sflag:s22] =	ssyncadd.s32 $0xFFFFEC00  }
0xde: {  	[spmem:s4] =	stream.indirect.scatter.add.f32 [tilespmem:s25], [sflag:$0x3], $0x1, s1, s30, $0xb8;
	[tilespmem:$0x17D90] =	vst v63  }
0xdf: {  	_ =	swait.ge [sflag:s22], $0x50  }
0xe0: {  	[sflag:s22] =	ssyncset.done $0x0  }
0xe1: {  	s8 =	stileid.u32;
	[sflag:s22] =	ssyncadd.s32 $0xFFFFFFB0  }
0xe2: {  	s8 =	sshll.u32 s8, $0x6;
	[bflag:$0x0] =	sbarrier.arrive $0xFFFF  }
0xe3: {  	s8 =	sor.u32 $0x1C03, s8;
	s12 =	rddreg [dreg:$0x9]  }
0xe4: {  	[hbm:s12], [sflag:s8] =	dma.local [spmem:s24], $0x1400  }
0xe5: {  	_ =	swait.ge [sflag:s22], $0x1400  }
0xe6: {  	[sflag:s22] =	ssyncset.done $0x0  }
0xe7: {  	s14 =	sshrl.u32 s10, $0x3;
	s11 =	rddreg [dreg:$0xa];
	[sflag:s22] =	ssyncadd.s32 $0xFFFFEC00  }
0xe8: {  	[hbm:s11], [sflag:s8] =	dma.local [spmem:s14], $0x50  }
0xe9: {  	_ =	swait.ge [sflag:s22], $0x50  }
0xea: {  	s7 =	sadd.s32 $0x1, s7;
	s15 =	rddreg [dreg:$0xb]  }
0xeb: {  	p0 =	sne.s32 s7, s15  }
.Ltmp3:
0xec: {  	_ = 	snop;
	(pc) =	sbr.rel @p0 .LBB2_1-.Ltmp3, $3  }
0xed: {  	_ =	sdelay $0x1  }
0xee: {  	[sflag:s22] =	ssyncset.done $0x0  }
0xef: {  	[sflag:s22] =	ssyncadd.s32 $0xFFFFFFB0  }
0xf0: {  	_ =	sfence.sel $0x180000  }
0xf1: {  	[bflag:$0x0] =	sbarrier.arrive $0xFFFF  }
0xf2: {  	_ =	strace $0x90000047  }
0xf3: {  	s0 =	stileid.u32;
	[bflag:$0x2] =	sbarrier.arrive $0xFFFF  }
0xf4: {  	p0 =	sne.s32 s0, $0x0;
	s0 =	rddreg [dreg:$0x5]  }
0xf5: {  	s0 =	sadd.s32 @!p0 $0x100000, s0  }
0xf6: {  	[sflag:s0] =	ssyncadd.tile.s32 @!p0 $0x1;
	_ =	shalt  }
.Lfunc_end2:
_tile_overlayer_lowered:
.L_overlay_start_2:
0xf7: {  	(tag) =	ssettag $0x2  }
0xf8: {  	s0 =	rddreg [dreg:$0x0];
	s2 =	stileid.u32  }
0xf9: {  	s1 =	rddreg [dreg:$0x1];
	p0 =	sne.s32 s2, $0x0  }
0xfa: {  	s3 =	rddreg [dreg:$0x2];
	[bflag:$0x3] =	sbarrier.arrive $0xFFFF;
	s2 =	simm.s32 @!p0 $0x1C03  }
0xfb: {  	[timem:s3], [sflag:s2] =	dma.local @!p0 [hbm:s0], s1  }
0xfc: {  	s0 =	simm.s32 @!p0 $0x3  }
0xfd: {  	_ =	swait.ge @!p0 [sflag:s0], s1  }
0xfe: {  	s1 =	ssub.s32 @!p0 $0x0, s1;
	[sflag:s0] =	ssyncset.done @!p0 $0x0  }
0xff: {  	[sflag:s0] =	ssyncadd.s32 @!p0 s1  }
0x100: {  	[bflag:$0x3] =	sbarrier.arrive $0xFFFF  }
0x101: {  	_ =	shalt  }

// kernel: kernel.9.cloned.1.call-start
scs
__scs_entry_jumppad:
0x0: {  	(pc) =	sbr.rel $0x88, $3  }
0x1: {  	(tag) =	ssettag $0x0;
	lr =	simm.s32 $0x1  }
0x2: {  	[smem:$0x3F9D] =	sst lr;
	_ =	strace $0xD0000000  }
0x3: {  	_ = 	snop  }
0x4: {  	_ = 	snop  }
0x5: {  	_ = 	snop  }
0x6: {  	_ = 	snop  }
0x7: {  	_ = 	snop  }
__scs_overlays_trampoline_lowered:
0x8: {  	[smem:$0x3FAC] =	sst s0  }
0x9: {  	[smem:$0x3FAD] =	sst s1  }
0xa: {  	[smem:$0x3FAE] =	sst s2  }
0xb: {  	[smem:$0x3FAF] =	sst s3  }
0xc: {  	[smem:$0x3FB0] =	sst s4  }
0xd: {  	[smem:$0x3FB1] =	sst s5  }
0xe: {  	[smem:$0x3FB2] =	sst s6  }
0xf: {  	[smem:$0x3FB3] =	sst s7  }
0x10: {  	[smem:$0x3FB4] =	sst s8  }
0x11: {  	[smem:$0x3FB5] =	sst s9;
	s0 =	simm.s32 @!p0 $0x0  }
0x12: {  	s1 =	sld [smem:$0x3F9B];
	s0 =	simm.s32 @p0 $0x1  }
0x13: {  	[smem:$0x3FB6] =	sst s0;
	s0 =	simm.s32 @!p1 $0x0  }
0x14: {  	s2 =	sld [smem:$0x3F9A];
	s0 =	simm.s32 @p1 $0x1  }
0x15: {  	[smem:$0x3FB7] =	sst s0;
	s0 =	simm.s32 @!p2 $0x0  }
0x16: {  	s3 =	sld [smem:$0x3FDB];
	s0 =	simm.s32 @p2 $0x1  }
0x17: {  	s4 =	simm.s32 $0x1BF5;
	[smem:$0x3FB9] =	sst s0  }
0x18: {  	s0 =	sld [smem:$0x3F9C];
	_ =	swait.ge [sflag:s4], $0x0  }
0x19: {  	s7 =	sld [smem:$0x3F9D]  }
0x1a: {  	s8 =	sadd.s32 $0xFFFFE003, lr  }
0x1b: {  	s9 =	sadd.s32 $0xFFFFFEF7, lr;
	s5 =	simm.s32 $0xFFFFFFFF;
	p2 =	slt.u32 s8, $0xFFFFF086  }
0x1c: {  	p1 =	slt.u32 s9, $0xF7A;
	s5 =	simm.s32 @!p2 $0x0  }
0x1d: {  	s5 =	simm.s32 @p1 $0x1;
	p0 =	seq.s32 s7, s2  }
0x1e: {  	s7 =	smul.u32 @!p0 $0xF7A, s2;
	p2 =	seq.s32 @!p0 s5, $0x0  }
0x1f: {  	s9 =	smul.u32 $0xF7A, s1;
	s8 =	simm.s32 @!p0 $0x1BF5;
	p2 =	por !p2, p0  }
0x20: {  	[sflag:s8] =	ssyncset.s32 @!p0 $0xFFFFF086;
	s6 =	sadd.s32 @!p0 s3, s7;
	s7 =	simm.s32 @!p0 $0x108  }
0x21: {  	s3 =	sadd.s32 s3, s9;
	s6 =	sadd.s32 @!p0 $0x88, s6;
	s7 =	simm.s32 @p2 $0x1082  }
0x22: {  	[simem:s7], [sflag:s8] =	dma.local @!p0 [hbm:s6], $0xF7A  }
0x23: {  	s9 =	sor.u32 $0xD0000000, s2;
	s6 =	simm.s32 $0x108;
	_ =	swait.ge @!p0 [sflag:s8], $0x0  }
0x24: {  	s3 =	sadd.s32 $0x88, s3;
	s6 =	simm.s32 @!p1 $0x1082;
	[sflag:s4] =	ssyncset.s32 $0xFFFFF086  }
0x25: {  	[simem:s6], [sflag:s4] =	dma.local [hbm:s3], $0xF7A  }
0x26: {  	[smem:$0x3F9D] =	sst s1;
	(tag) =	ssettag s2;
	_ =	strace s9  }
0x27: {  	s1 =	sld [smem:$0x3FAD]  }
0x28: {  	s2 =	sld [smem:$0x3FAE]  }
0x29: {  	s4 =	sld [smem:$0x3FB0]  }
0x2a: {  	p0 =	seq.s32 s5, $0x0;
	s5 =	sld [smem:$0x3FB1]  }
0x2b: {  	s6 =	sld [smem:$0x3FB2]  }
0x2c: {  	s7 =	sld [smem:$0x3FB3]  }
0x2d: {  	s3 =	simm.s32 $0x108;
	s8 =	sld [smem:$0x3FB4]  }
0x2e: {  	s3 =	simm.s32 @!p0 $0x1082;
	s9 =	sld [smem:$0x3FB5]  }
0x2f: {  	lr =	sadd.s32 s0, s3;
	s0 =	sld [smem:$0x3FAC]  }
0x30: {  	s3 =	sld [smem:$0x3FAF]  }
0x31: {  	[smem:$0x3FB8] =	sst s10  }
0x32: {  	s10 =	sld [smem:$0x3FB6];
	_ =	sdelay $0x3  }
0x33: {  	p0 =	seq.s32 s10, $0x1;
	s10 =	sld [smem:$0x3FB8];
	_ =	sdelay $0x3  }
0x34: {  	[smem:$0x3FB8] =	sst s10  }
0x35: {  	s10 =	sld [smem:$0x3FB7];
	_ =	sdelay $0x3  }
0x36: {  	p1 =	seq.s32 s10, $0x1;
	s10 =	sld [smem:$0x3FB8];
	_ =	sdelay $0x3  }
0x37: {  	[smem:$0x3FB8] =	sst s10  }
0x38: {  	s10 =	sld [smem:$0x3FB9]  }
0x39: {  	_ = 	snop;
	(pc) =	sbr.ind lr, $3  }
0x3a: {  	_ = 	snop  }
0x3b: {  	_ = 	snop  }
0x3c: {  	p2 =	seq.s32 s10, $0x1;
	s10 =	sld [smem:$0x3FB8]  }
0x3d: {  	_ =	shalt  }
0x3e: {  	_ =	shalt  }
0x3f: {  	_ =	shalt  }
0x40: {  	_ =	shalt  }
0x41: {  	_ =	shalt  }
0x42: {  	_ =	shalt  }
0x43: {  	_ =	shalt  }
0x44: {  	_ =	shalt  }
0x45: {  	_ =	shalt  }
0x46: {  	_ =	shalt  }
0x47: {  	_ =	shalt  }
0x48: {  	_ =	shalt  }
0x49: {  	_ =	shalt  }
0x4a: {  	_ =	shalt  }
0x4b: {  	_ =	shalt  }
0x4c: {  	_ =	shalt  }
0x4d: {  	_ =	shalt  }
0x4e: {  	_ =	shalt  }
0x4f: {  	_ =	shalt  }
0x50: {  	_ =	shalt  }
0x51: {  	_ =	shalt  }
0x52: {  	_ =	shalt  }
0x53: {  	_ =	shalt  }
0x54: {  	_ =	shalt  }
0x55: {  	_ =	shalt  }
0x56: {  	_ =	shalt  }
0x57: {  	_ =	shalt  }
0x58: {  	_ =	shalt  }
0x59: {  	_ =	shalt  }
0x5a: {  	_ =	shalt  }
0x5b: {  	_ =	shalt  }
0x5c: {  	_ =	shalt  }
0x5d: {  	_ =	shalt  }
0x5e: {  	_ =	shalt  }
0x5f: {  	_ =	shalt  }
0x60: {  	_ =	shalt  }
0x61: {  	_ =	shalt  }
0x62: {  	_ =	shalt  }
0x63: {  	_ =	shalt  }
0x64: {  	_ =	shalt  }
0x65: {  	_ =	shalt  }
0x66: {  	_ =	shalt  }
0x67: {  	_ =	shalt  }
0x68: {  	_ =	shalt  }
0x69: {  	_ =	shalt  }
0x6a: {  	_ =	shalt  }
0x6b: {  	_ =	shalt  }
0x6c: {  	_ =	shalt  }
0x6d: {  	_ =	shalt  }
0x6e: {  	_ =	shalt  }
0x6f: {  	_ =	shalt  }
0x70: {  	_ =	shalt  }
0x71: {  	_ =	shalt  }
0x72: {  	_ =	shalt  }
0x73: {  	_ =	shalt  }
0x74: {  	_ =	shalt  }
0x75: {  	_ =	shalt  }
0x76: {  	_ =	shalt  }
0x77: {  	_ =	shalt  }
0x78: {  	_ =	shalt  }
0x79: {  	_ =	shalt  }
0x7a: {  	_ =	shalt  }
0x7b: {  	_ =	shalt  }
0x7c: {  	_ =	shalt  }
0x7d: {  	_ =	shalt  }
0x7e: {  	_ =	shalt  }
0x7f: {  	_ =	shalt  }
0x80: {  	_ =	shalt  }
0x81: {  	_ =	shalt  }
0x82: {  	_ =	shalt  }
0x83: {  	_ =	shalt  }
0x84: {  	_ =	shalt  }
0x85: {  	_ =	shalt  }
0x86: {  	_ =	shalt  }
0x87: {  	_ =	shalt  }
.Lfunc_end0:
.L_simem_size_0:
called_computation.1_lowered:
.L_overlay_start_0:
0x88: {  	s2 =	sld [smem:$0x3FD9]  }
0x89: {  	s3 =	sld [smem:$0x3FFE];
	_ =	sdelay $0x1  }
0x8a: {  	s1 =	srdreg.scid  }
0x8b: {  	s0 =	sand.u32 $0x1, s1  }
0x8c: {  	s17 =	sshll.u32 s0, $0xA;
	s2 =	sadd.s32 s3, s2  }
0x8d: {  	s2 =	sadd.s32 s2, s17  }
0x8e: {  	[smem:$0x3FC4] =	sst s2  }
0x8f: {  	_ = 	snop  }
0x90: {  	s2 =	sld [smem:$0x3FD0];
	(tm) =	ssettm $0x1  }
0x91: {  	s18 =	sld [smem:$0x3FFB];
	_ =	sdelay $0x3  }
0x92: {  	_ =	strace s18  }
0x93: {  	s3 =	sld [smem:$0x3FFC];
	_ =	sdelay $0x3  }
0x94: {  	_ =	strace s3  }
0x95: {  	s3 =	sld [smem:$0x3FFD];
	_ =	sdelay $0x3  }
0x96: {  	_ =	strace s3  }
0x97: {  	_ =	strace $0x8FFFFFFF  }
0x98: {  	s19 =	sld [smem:$0x3FDB];
	_ =	sdelay $0x1  }
0x99: {  	s4 =	simm.s32 $_scs_section_size  }
0x9a: {  	s5 =	simm.s32 $_size__tile_overlayer_lowered;
	s6 =	simm.s32 $_tile_overlayer_lowered  }
0x9b: {  	s22 =	simm.s32 $0x1BFF;
	s21 =	sshll.u32 s6, $0x1;
	s3 =	sadd.s32 s4, s19  }
0x9c: {  	s7 =	simm.s32 $0x0;
	s20 =	sshll.u32 s5, $0x1;
	s5 =	sadd.s32 s21, s3  }
0x9d: {  	[timem:s7], [sflag:s22] =	dma.local [hbm:s5], s20  }
0x9e: {  	_ =	swait.ge [sflag:s22], s20  }
0x9f: {  	s4 =	ssub.s32 $0x0, s20;
	[sflag:s22] =	ssyncset.done $0x0  }
0xa0: {  	[sflag:s22] =	ssyncadd.s32 s4;
	_ =	sdelay $0x1  }
0xa1: {  	s23 =	simm.s32 $0x1B8B  }
0xa2: {  	_ =	swait.ge [sflag:s23], $0x1  }
0xa3: {  	[sflag:s23] =	ssyncset.done $0x0  }
0xa4: {  	s25 =	simm.s32 $0x1B8E;
	s24 =	sld [smem:$0x3FFE];
	[sflag:s23] =	ssyncadd.s32 $0xFFFFFFFF  }
0xa5: {  	s26 =	simm.s32 $execute0_lowered;
	[smem:$0x3FD2] =	sst s25  }
0xa6: {  	s5 =	sshll.u32 s26, $0x1;
	_ =	strace $0x80000049;
	[dreg:$0x1] =	wrdreg $0xFFFFFFFF  }
0xa7: {  	s28 =	simm.s32 $_size_execute0_lowered;
	s3 =	sadd.s32 s3, s5;
	[dreg:$0x0] =	wrdreg $0x0  }
0xa8: {  	s5 =	sshll.u32 s28, $0x1;
	[dreg:$0x2] =	wrdreg s3  }
0xa9: {  	[dreg:$0x3] =	wrdreg s5  }
0xaa: {  	[dreg:$0x4] =	wrdreg $0xC0  }
0xab: {  	_ =	task [dreg:s7], $0x5FFFF  }
0xac: {  	[dreg:$0x1] =	wrdreg $0xFFFFFFFF  }
0xad: {  	[dreg:$0x0] =	wrdreg $0x60  }
0xae: {  	[dreg:$0x2] =	wrdreg s2  }
0xaf: {  	[dreg:$0x3] =	wrdreg s24  }
0xb0: {  	[dreg:$0x4] =	wrdreg $0x8A200  }
0xb1: {  	[dreg:$0x5] =	wrdreg $0x9  }
0xb2: {  	_ =	task.clear_ibuf [dreg:s7], $0x6FFFF;
	_ =	strace $0x90000049  }
0xb3: {  	s29 =	simm.s32 $0x9;
	_ =	strace $0x8000004B  }
0xb4: {  	_ =	swait.ge [sflag:s29], $0x1  }
0xb5: {  	[sflag:s29] =	ssyncadd.s32 $0xFFFFFFFF  }
0xb6: {  	_ =	strace $0x9000004B  }
0xb7: {  	_ =	sfence  }
0xb8: {  	s30 =	sld [smem:$0x0];
	_ =	sdelay $0x2  }
0xb9: {  	s31 =	sshll.u32 s1, $0xD;
	s1 =	sshrl.u32 s1, $0x2  }
0xba: {  	s3 =	sand.u32 $0x4000, s31;
	s1 =	sadd.s32 s1, s30  }
0xbb: {  	s0 =	sor.u32 s3, s0;
	s1 =	sshll.u32 s1, $0x11  }
0xbc: {  	s0 =	sor.u32 s1, s0  }
0xbd: {  	s0 =	sadd.s32 $0x8F2B, s0  }
0xbe: {  	[sflag:s0] =	ssyncadd.remote.s32 $0x1  }
0xbf: {  	_ =	sfence.sel $0xFFFF  }
0xc0: {  	[dreg:$0x0] =	wrdreg $0xFFFFFFFF;
	(pc) =	sbr.abs _section_cstart, $3  }
0xc1: {  	[dreg:$0x1] =	wrdreg $0xFFFFFFFF  }
0xc2: {  	_ =	task.clear_ibuf [dreg:s7], $0x2FFFF;
	_ =	strace $0x9FFFFFFF  }
0xc3: {  	(tm) =	ssettm $0x7FFFFFFF  }
tec
execute0_lowered:
.L_overlay_start_1:
0x0: {  	(tag) =	ssettag $0x1  }
0x1: {  	s0 =	rddreg [dreg:$0x0]  }
0x2: {  	s1 =	rddreg [dreg:$0x1]  }
0x3: {  	s2 =	rddreg [dreg:$0x2];
	s3 =	srdreg.scid  }
0x4: {  	s10 =	stileid.u32;
	s17 =	simm.s32 $0x3;
	s19 =	simm.s32 $0x7620  }
0x5: {  	s20 =	simm.s32 $0x50;
	s21 =	simm.s32 $0x4E20;
	s22 =	simm.s32 $0x6220  }
0x6: {  	s23 =	simm.s32 $0x1;
	s24 =	simm.s32 $0x2;
	s28 =	simm.s32 $0x26C0  }
0x7: {  	s29 =	simm.s32 $0x4D80;
	s30 =	simm.s32 $0x4DD0;
	s31 =	simm.s32 $0x0  }
0x8: {  	s5 =	sand.u32 $0x1, s3;
	s3 =	simm.s32 $0x0;
	s8 =	smul.u32 $0xA000, s10  }
0x9: {  	s4 =	smul.u32 $0xA0000, s5;
	s6 =	sshll.u32 s5, $0x4;
	[smem:$0x7FF] =	sst s3  }
0xa: {  	s5 =	ssub.s32 $0x2, s5;
	s6 =	sor.u32 s10, s6;
	_ =	strace $0x8000004A  }
0xb: {  	s9 =	sshrl.u32 s5, $0x1;
	s10 =	smul.u32 $0x28000, s10;
	s26 =	sadd.s32 s8, s2  }
0xc: {  	s7 =	sadd.s32 s8, s4;
	s6 =	smul.u32 $0x2710, s6;
	s4 =	sadd.s32 $0x2200, s1  }
0xd: {  	s9 =	ssub.s32 s5, s9;
	s7 =	sshrl.u32 s7, $0x3;
	s25 =	sshrl.u32 s10, $0x2  }
0xe: {  	s8 =	smax.u32 s9, $0x1;
	s6 =	sshrl.u32 s6, $0x3;
	s1 =	sadd.s32 s7, s1  }
0xf: {  	s9 =	sadd.s32 s25, s2;
	s25 =	sshrl.u32 s26, $0x3;
	s5 =	sadd.s32 s0, s6  }
0x10: {  	s7 =	sadd.s32 $0x16200, s1;
	s10 =	sadd.s32 $0x1400, s9;
	s11 =	sadd.s32 $0x2800, s9  }
0x11: {  	s12 =	sadd.s32 $0x3C00, s9;
	s13 =	sadd.s32 $0x5000, s9;
	s14 =	sadd.s32 $0x6400, s9  }
0x12: {  	v0 =	vimm.f32 $0.0e+00;
	s15 =	sadd.s32 $0x7800, s9;
	s16 =	sadd.s32 $0x8C00, s9;
	s6 =	sadd.s32 $0x9C40, s5  }
.LBB2_1:
0x13: {  	[tilespmem:s3], [sflag:$0x3] =	stream.linear.gather [hbm4b:s5+s3], $0x2710, $0x38;
	[tilespmem:$0x12A20] =	vst v63  }
0x14: {  	_ =	swait.ge [sflag:s17], $0x2710  }
0x15: {  	[sflag:s17] =	ssyncset.done $0x0  }
0x16: {  	s0 =	simm.s32 $0x2710;
	s26 =	sand.u32 $0x7F00, s3;
	[sflag:s17] =	ssyncadd.s32 $0xFFFFD8F0  }
0x17: {  	[tilespmem:s0], [sflag:$0x3] =	stream.linear.gather [hbm4b:s6+s3], $0x2710, $0x38;
	[tilespmem:$0x12A20] =	vst v63  }
0x18: {  	s1 =	sand.u32 $0x30, s3;
	s18 =	sshrl.u32 s26, $0x2;
	_ =	swait.ge [sflag:s17], $0x2710  }
0x19: {  	s18 =	sor.u32 s1, s18;
	[sflag:s17] =	ssyncset.done $0x0  }
0x1a: {  	s1 =	simm.s32 $0x0;
	s0 =	simm.s32 $0x40;
	[sflag:s17] =	ssyncadd.s32 $0xFFFFD8F0  }
.LBB2_2:
0x1b: {  	p0 =	sne.s32 s0, $0x4FC0  }
0x1c: {  	[tilespmem:s18+$0x7620] =	vst v0;
	s1 =	sadd.s32 $0x10, s1;
	s18 =	smov.u32 s0;
	s0 =	sadd.s32 $0x40, s0  }
.Ltmp0:
0x1d: {  	(pc) =	sbr.rel @p0 .LBB2_2-.Ltmp0, $4  }
0x1e: {  	_ = 	snop  }
0x1f: {  	s18 =	sand.u32 $0x7F00, s18  }
0x20: {  	s26 =	sand.u32 $0x30, s1;
	s18 =	sshrl.u32 s18, $0x2  }
0x21: {  	s18 =	sor.u32 s26, s18  }
0x22: {  	[tilespmem:s18+$0x7620] =	vst v0  }
0x23: {  	[spmem:s9] =	stream.linear.scatter [tilespmem:s19], [sflag:$0x3], $0x1400, $0x38;
	[tilespmem:$0x12A20] =	vst v63  }
0x24: {  	_ =	swait.ge [sflag:s17], $0x1400  }
0x25: {  	[sflag:s17] =	ssyncset.done $0x0  }
0x26: {  	[sflag:s17] =	ssyncadd.s32 $0xFFFFEC00  }
0x27: {  	[spmem:s10] =	stream.linear.scatter [tilespmem:s19], [sflag:$0x3], $0x1400, $0x38;
	[tilespmem:$0x12A20] =	vst v63  }
0x28: {  	_ =	swait.ge [sflag:s17], $0x1400  }
0x29: {  	[sflag:s17] =	ssyncset.done $0x0  }
0x2a: {  	[sflag:s17] =	ssyncadd.s32 $0xFFFFEC00  }
0x2b: {  	[spmem:s11] =	stream.linear.scatter [tilespmem:s19], [sflag:$0x3], $0x1400, $0x38;
	[tilespmem:$0x12A20] =	vst v63  }
0x2c: {  	_ =	swait.ge [sflag:s17], $0x1400  }
0x2d: {  	[sflag:s17] =	ssyncset.done $0x0  }
0x2e: {  	[sflag:s17] =	ssyncadd.s32 $0xFFFFEC00  }
0x2f: {  	[spmem:s12] =	stream.linear.scatter [tilespmem:s19], [sflag:$0x3], $0x1400, $0x38;
	[tilespmem:$0x12A20] =	vst v63  }
0x30: {  	_ =	swait.ge [sflag:s17], $0x1400  }
0x31: {  	[sflag:s17] =	ssyncset.done $0x0  }
0x32: {  	[sflag:s17] =	ssyncadd.s32 $0xFFFFEC00  }
0x33: {  	[spmem:s13] =	stream.linear.scatter [tilespmem:s19], [sflag:$0x3], $0x1400, $0x38;
	[tilespmem:$0x12A20] =	vst v63  }
0x34: {  	_ =	swait.ge [sflag:s17], $0x1400  }
0x35: {  	[sflag:s17] =	ssyncset.done $0x0  }
0x36: {  	[sflag:s17] =	ssyncadd.s32 $0xFFFFEC00  }
0x37: {  	[spmem:s14] =	stream.linear.scatter [tilespmem:s19], [sflag:$0x3], $0x1400, $0x38;
	[tilespmem:$0x12A20] =	vst v63  }
0x38: {  	_ =	swait.ge [sflag:s17], $0x1400  }
0x39: {  	[sflag:s17] =	ssyncset.done $0x0  }
0x3a: {  	[sflag:s17] =	ssyncadd.s32 $0xFFFFEC00  }
0x3b: {  	[spmem:s15] =	stream.linear.scatter [tilespmem:s19], [sflag:$0x3], $0x1400, $0x38;
	[tilespmem:$0x12A20] =	vst v63  }
0x3c: {  	_ =	swait.ge [sflag:s17], $0x1400  }
0x3d: {  	[sflag:s17] =	ssyncset.done $0x0  }
0x3e: {  	[sflag:s17] =	ssyncadd.s32 $0xFFFFEC00  }
0x3f: {  	[spmem:s16] =	stream.linear.scatter [tilespmem:s19], [sflag:$0x3], $0x1400, $0x38;
	[tilespmem:$0x12A20] =	vst v63  }
0x40: {  	_ =	swait.ge [sflag:s17], $0x1400  }
0x41: {  	[sflag:s17] =	ssyncset.done $0x0  }
0x42: {  	[sflag:s17] =	ssyncadd.s32 $0xFFFFEC00  }
0x43: {  	s0 =	simm.s32 $0x0;
	[bflag:$0x0] =	sbarrier.arrive $0xFFFF  }
0x44: {  	[tilespmem:s21], [sflag:$0x1] =	stream.indirect.gather [hbm4b:s4+s20], $0x40, s0, s20, $0xb8;
	[tilespmem:$0x12A20] =	vst v63  }
0x45: {  	_ = 	snop  }
0x46: {  	[tilespmem:s22], [sflag:$0x2] =	stream.indirect.gather [hbm4b:s4+s20], $0x40, s20, s20, $0xb8;
	[tilespmem:$0x12A20] =	vst v63  }
0x47: {  	_ =	swait.ge [sflag:s23], $0x1400  }
0x48: {  	[sflag:s23] =	ssyncset.done $0x0  }
0x49: {  	s1 =	simm.s32 $0x2710;
	[sflag:s23] =	ssyncadd.s32 $0xFFFFEC00  }
0x4a: {  	[spmem:s2] =	stream.indirect.scatter.add.f32 [tilespmem:s21], [sflag:$0x3], $0x40, s1, s20, $0xb8;
	[tilespmem:$0x12A20] =	vst v63  }
0x4b: {  	_ =	swait.ge [sflag:s17], $0x1400  }
0x4c: {  	[sflag:s17] =	ssyncset.done $0x0  }
0x4d: {  	s18 =	simm.s32 $0xA0;
	[sflag:s17] =	ssyncadd.s32 $0xFFFFEC00  }
0x4e: {  	[tilespmem:s21], [sflag:$0x1] =	stream.indirect.gather [hbm4b:s4+s20], $0x40, s18, s20, $0xb8;
	[tilespmem:$0x12A20] =	vst v63  }
0x4f: {  	_ =	swait.ge [sflag:s24], $0x1400  }
0x50: {  	[sflag:s24] =	ssyncset.done $0x0  }
0x51: {  	s26 =	simm.s32 $0x2760;
	[sflag:s24] =	ssyncadd.s32 $0xFFFFEC00  }
0x52: {  	[spmem:s2] =	stream.indirect.scatter.add.f32 [tilespmem:s22], [sflag:$0x3], $0x40, s26, s20, $0xb8;
	[tilespmem:$0x12A20] =	vst v63  }
0x53: {  	_ =	swait.ge [sflag:s17], $0x1400  }
0x54: {  	[sflag:s17] =	ssyncset.done $0x0  }
0x55: {  	s0 =	simm.s32 $0x280;
	s1 =	simm.s32 $0xF0;
	[sflag:s17] =	ssyncadd.s32 $0xFFFFEC00  }
.LBB2_4:
0x56: {  	[tilespmem:s22], [sflag:$0x2] =	stream.indirect.gather [hbm4b:s4+s20], $0x40, s1, s20, $0xb8;
	[tilespmem:$0x12A20] =	vst v63  }
0x57: {  	s1 =	smov.u32 s0  }
0x58: {  	p0 =	sne.s32 s0, $0x9600;
	s0 =	sadd.s32 $0x280, s0;
	_ =	swait.ge [sflag:s23], $0x1400  }
0x59: {  	s1 =	sshra.s32 s1, $0x2;
	[sflag:s23] =	ssyncset.done $0x0  }
0x5a: {  	s18 =	sadd.s32 $0x2710, s1;
	[sflag:s23] =	ssyncadd.s32 $0xFFFFEC00  }
0x5b: {  	[spmem:s2] =	stream.indirect.scatter.add.f32 [tilespmem:s21], [sflag:$0x3], $0x40, s18, s20, $0xb8;
	[tilespmem:$0x12A20] =	vst v63  }
0x5c: {  	_ =	swait.ge [sflag:s17], $0x1400  }
0x5d: {  	[sflag:s17] =	ssyncset.done $0x0  }
0x5e: {  	s18 =	sadd.s32 $0xA0, s1;
	[sflag:s17] =	ssyncadd.s32 $0xFFFFEC00  }
0x5f: {  	[tilespmem:s21], [sflag:$0x1] =	stream.indirect.gather [hbm4b:s4+s20], $0x40, s18, s20, $0xb8;
	[tilespmem:$0x12A20] =	vst v63  }
0x60: {  	_ =	swait.ge [sflag:s24], $0x1400  }
0x61: {  	[sflag:s24] =	ssyncset.done $0x0  }
.Ltmp1:
0x62: {  	s18 =	sadd.s32 $0x2760, s1;
	[sflag:s24] =	ssyncadd.s32 $0xFFFFEC00;
	(pc) =	sbr.rel @p0 .LBB2_4-.Ltmp1, $4  }
0x63: {  	[spmem:s2] =	stream.indirect.scatter.add.f32 [tilespmem:s22], [sflag:$0x3], $0x40, s18, s20, $0xb8;
	[tilespmem:$0x12A20] =	vst v63  }
0x64: {  	_ =	swait.ge [sflag:s17], $0x1400  }
0x65: {  	[sflag:s17] =	ssyncset.done $0x0  }
0x66: {  	s1 =	sadd.s32 $0xF0, s1;
	[sflag:s17] =	ssyncadd.s32 $0xFFFFEC00  }
0x67: {  	[tilespmem:s22], [sflag:$0x2] =	stream.indirect.gather [hbm4b:s4+s20], $0x40, s1, s20, $0xb8;
	[tilespmem:$0x12A20] =	vst v63  }
0x68: {  	_ =	swait.ge [sflag:s23], $0x1400  }
0x69: {  	[sflag:s23] =	ssyncset.done $0x0  }
0x6a: {  	s0 =	simm.s32 $0x4D30;
	[sflag:s23] =	ssyncadd.s32 $0xFFFFEC00  }
0x6b: {  	[spmem:s2] =	stream.indirect.scatter.add.f32 [tilespmem:s21], [sflag:$0x3], $0x40, s0, s20, $0xb8;
	[tilespmem:$0x12A20] =	vst v63  }
0x6c: {  	_ =	swait.ge [sflag:s17], $0x1400  }
0x6d: {  	[sflag:s17] =	ssyncset.done $0x0  }
0x6e: {  	[sflag:s17] =	ssyncadd.s32 $0xFFFFEC00  }
0x6f: {  	[tilespmem:s21], [sflag:$0x1] =	stream.indirect.gather [hbm4b:s4+s20], $0x40, s28, s20, $0xb8;
	[tilespmem:$0x12A20] =	vst v63  }
0x70: {  	_ =	swait.ge [sflag:s24], $0x1400  }
0x71: {  	[sflag:s24] =	ssyncset.done $0x0  }
0x72: {  	[sflag:s24] =	ssyncadd.s32 $0xFFFFEC00  }
0x73: {  	[spmem:s2] =	stream.indirect.scatter.add.f32 [tilespmem:s22], [sflag:$0x3], $0x40, s29, s20, $0xb8;
	[tilespmem:$0x12A20] =	vst v63  }
0x74: {  	_ =	swait.ge [sflag:s17], $0x1400  }
0x75: {  	[sflag:s17] =	ssyncset.done $0x0  }
0x76: {  	[sflag:s17] =	ssyncadd.s32 $0xFFFFEC00  }
0x77: {  	_ =	swait.ge [sflag:s23], $0x1400  }
0x78: {  	[sflag:s23] =	ssyncset.done $0x0  }
0x79: {  	[sflag:s23] =	ssyncadd.s32 $0xFFFFEC00  }
0x7a: {  	[spmem:s2] =	stream.indirect.scatter.add.f32 [tilespmem:s21], [sflag:$0x3], $0x40, s30, s20, $0xb8;
	[tilespmem:$0x12A20] =	vst v63  }
0x7b: {  	_ =	swait.ge [sflag:s17], $0x1400  }
0x7c: {  	s26 =	stileid.u32;
	s31 =	sadd.s32 $0x1, s31;
	[sflag:s17] =	ssyncset.done $0x0  }
0x7d: {  	p0 =	sne.s32 s31, s8;
	s0 =	sshll.u32 s26, $0x6;
	[sflag:s17] =	ssyncadd.s32 $0xFFFFEC00  }
.Ltmp2:
0x7e: {  	s0 =	sor.u32 $0x1C03, s0;
	[bflag:$0x0] =	sbarrier.arrive $0xFFFF;
	(pc) =	sbr.rel @p0 .LBB2_1-.Ltmp2, $4  }
0x7f: {  	[hbm:s7], [sflag:s0] =	dma.local [spmem:s25], $0x1400  }
0x80: {  	_ =	swait.ge [sflag:s17], $0x1400  }
0x81: {  	[sflag:s17] =	ssyncset.done $0x0  }
0x82: {  	[sflag:s17] =	ssyncadd.s32 $0xFFFFEC00  }
0x83: {  	_ =	sfence.sel $0x180000  }
0x84: {  	[bflag:$0x0] =	sbarrier.arrive $0xFFFF  }
0x85: {  	_ =	strace $0x9000004A  }
0x86: {  	s0 =	stileid.u32;
	[bflag:$0x2] =	sbarrier.arrive $0xFFFF  }
0x87: {  	p0 =	sne.s32 s0, $0x0;
	s0 =	rddreg [dreg:$0x3]  }
0x88: {  	s0 =	sadd.s32 @!p0 $0x100000, s0  }
0x89: {  	[sflag:s0] =	ssyncadd.tile.s32 @!p0 $0x1;
	_ =	shalt  }
.Lfunc_end2:
_tile_overlayer_lowered:
.L_overlay_start_2:
0x8a: {  	(tag) =	ssettag $0x2  }
0x8b: {  	s0 =	rddreg [dreg:$0x0];
	s2 =	stileid.u32  }
0x8c: {  	s1 =	rddreg [dreg:$0x1];
	p0 =	sne.s32 s2, $0x0  }
0x8d: {  	s3 =	rddreg [dreg:$0x2];
	[bflag:$0x3] =	sbarrier.arrive $0xFFFF;
	s2 =	simm.s32 @!p0 $0x1C03  }
0x8e: {  	[timem:s3], [sflag:s2] =	dma.local @!p0 [hbm:s0], s1  }
0x8f: {  	s0 =	simm.s32 @!p0 $0x3  }
0x90: {  	_ =	swait.ge @!p0 [sflag:s0], s1  }
0x91: {  	s1 =	ssub.s32 @!p0 $0x0, s1;
	[sflag:s0] =	ssyncset.done @!p0 $0x0  }
0x92: {  	[sflag:s0] =	ssyncadd.s32 @!p0 s1  }
0x93: {  	[bflag:$0x3] =	sbarrier.arrive $0xFFFF  }
0x94: {  	_ =	shalt  }

</sc_bundles>
